<compile_context>
chip_gen: v7x
topology: tpu7x:2x2x1
jax: 0.10.2.dev20260603
libtpu: 0.0.44.dev20260713+nightly
codegen_flags: <defaults>
</compile_context>

<pallas_src>
import functools

import jax
import jax.numpy as jnp
from jax import lax
from jax.experimental import pallas as pl
from jax.experimental.pallas import tpu as pltpu
from jax.experimental.pallas import tpu_sc as plsc

N_NODES = 10000
N_PAD = 10240
HALF = 128
H_FEATS = 256
N_EDGES = 320000
NSUB = 16
EDGES_PER_SUB = N_EDGES // NSUB
CHUNK = 80
NCHUNK = EDGES_PER_SUB // CHUNK
ROWS_PER_SUB = N_PAD // NSUB
DEG_SLICE = N_PAD // NSUB
NQ = 4
QF = H_FEATS // NQ

_sc_mesh = plsc.VectorSubcoreMesh(core_axis_name="c", subcore_axis_name="s")
_sc_params = pltpu.CompilerParams(use_tc_tiling_on_sc=False)


@functools.partial(
    pl.kernel,
    out_type=jax.ShapeDtypeStruct((2, N_PAD), jnp.float32),
    mesh=_sc_mesh,
    scratch_types=[
        pltpu.VMEM((NCHUNK, CHUNK), jnp.int32),
        pltpu.VMEM((CHUNK,), jnp.float32),
        pltpu.VMEM((DEG_SLICE,), jnp.float32),
        pltpu.VMEM_SHARED((N_PAD,), jnp.float32),
    ],
    compiler_params=_sc_params,
)
def _deg_kernel(edges_hbm, deg_hbm, idx_v, ones_v, zeros_v, acc_sh):
    c = lax.axis_index("c")
    s = lax.axis_index("s")

    def fill_ones(i, carry):
        ones_v[pl.ds(i * 16, 16)] = jnp.ones((16,), jnp.float32)
        return carry

    lax.fori_loop(0, CHUNK // 16, fill_ones, 0)

    def fill_zeros(i, carry):
        zeros_v[pl.ds(i * 16, 16)] = jnp.zeros((16,), jnp.float32)
        return carry

    lax.fori_loop(0, DEG_SLICE // 16, fill_zeros, 0)

    pltpu.sync_copy(zeros_v, acc_sh.at[pl.ds(s * DEG_SLICE, DEG_SLICE)])
    pltpu.sync_copy(edges_hbm.at[c, s], idx_v)
    plsc.subcore_barrier()

    def body(i, carry):
        pltpu.sync_copy(ones_v, acc_sh.at[idx_v.at[i]], add=True)
        return carry

    lax.fori_loop(0, NCHUNK, body, 0)
    plsc.subcore_barrier()
    pltpu.sync_copy(acc_sh.at[pl.ds(s * DEG_SLICE, DEG_SLICE)],
                    deg_hbm.at[c, pl.ds(s * DEG_SLICE, DEG_SLICE)])


@functools.partial(
    pl.kernel,
    out_type=jax.ShapeDtypeStruct((NQ, N_PAD, QF), jnp.float32),
    mesh=_sc_mesh,
    scratch_types=[
        pltpu.VMEM((2, NCHUNK, CHUNK), jnp.int32),
        pltpu.VMEM((NCHUNK, CHUNK), jnp.int32),
        pltpu.VMEM((2, CHUNK, QF), jnp.float32),
        pltpu.VMEM_SHARED((N_PAD, QF), jnp.float32),
        pltpu.SemaphoreType.DMA,
    ],
    compiler_params=_sc_params,
)
def _spmm_kernel(feat_hbm, srcidx_hbm, dstidx_hbm, zeros_hbm, out_hbm,
                 src_v, dst_v, rows_v, acc_sh, sem):
    c = lax.axis_index("c")
    s = lax.axis_index("s")
    pltpu.sync_copy(srcidx_hbm.at[c * 2, s], src_v.at[0])
    pltpu.sync_copy(srcidx_hbm.at[c * 2 + 1, s], src_v.at[1])
    pltpu.sync_copy(dstidx_hbm.at[s], dst_v)

    for q in range(2):
        sq = src_v.at[q]
        pltpu.sync_copy(zeros_hbm.at[pl.ds(s * ROWS_PER_SUB, ROWS_PER_SUB)],
                        acc_sh.at[pl.ds(s * ROWS_PER_SUB, ROWS_PER_SUB)])
        plsc.subcore_barrier()

        pltpu.async_copy(feat_hbm.at[sq.at[0]], rows_v.at[0], sem).wait()

        def body(i, carry, sq=sq):
            nxt = pltpu.async_copy(feat_hbm.at[sq.at[i + 1]],
                                   rows_v.at[(i + 1) % 2], sem)
            pltpu.sync_copy(rows_v.at[i % 2], acc_sh.at[dst_v.at[i]], add=True)
            nxt.wait()
            return carry

        lax.fori_loop(0, NCHUNK - 1, body, 0)
        pltpu.sync_copy(rows_v.at[(NCHUNK - 1) % 2],
                        acc_sh.at[dst_v.at[NCHUNK - 1]], add=True)
        plsc.subcore_barrier()
        pltpu.sync_copy(
            acc_sh.at[pl.ds(s * ROWS_PER_SUB, ROWS_PER_SUB)],
            out_hbm.at[c * 2 + q, pl.ds(s * ROWS_PER_SUB, ROWS_PER_SUB)])


def _norm(d):
    return lax.rsqrt(jnp.where(d > 0, d, 1.0))


def _mm_body(x_ref, w_ref, degs_ref, out_ref):
    ns = _norm(degs_ref[...])
    t = jnp.dot(x_ref[...], w_ref[...], preferred_element_type=jnp.float32)
    e = t * ns
    for q in range(NQ):
        out_ref[q] = e[:, q * QF:(q + 1) * QF]


def _scale_body(agg_ref, degs_ref, degd_ref, out_ref):
    sc = _norm(degs_ref[...]) * _norm(degd_ref[...])
    out_ref[...] = agg_ref[...] * sc[None]


def _final_body(a_ref, agg1_ref, agg2_ref, degd_ref, out_ref):
    nd = _norm(degd_ref[...])
    m = a_ref[0] * agg1_ref[...] + a_ref[1] * agg2_ref[...]
    h = m * nd[None]
    for q in range(NQ):
        out_ref[:, q * QF:(q + 1) * QF] = h[q]


_RB = 2000
_RBP = 2048


def kernel(in_feat, edge_index, W1, alphas):
    ei = edge_index.astype(jnp.int32)
    a = jax.nn.softmax(alphas.astype(jnp.float32))

    edges4 = ei.reshape(2, NSUB, NCHUNK, CHUNK)
    deg = _deg_kernel(edges4)
    deg_src = deg[0].reshape(N_PAD, 1)
    deg_dst = deg[1].reshape(N_PAD, 1)

    e1 = pl.pallas_call(
        _mm_body,
        grid=(N_NODES // _RB,),
        in_specs=[
            pl.BlockSpec((_RB, 128), lambda i: (i, 0)),
            pl.BlockSpec((128, H_FEATS), lambda i: (0, 0)),
            pl.BlockSpec((_RB, 1), lambda i: (i, 0)),
        ],
        out_specs=pl.BlockSpec((NQ, _RB, QF), lambda i: (0, i, 0)),
        out_shape=jax.ShapeDtypeStruct((NQ, N_PAD, QF), jnp.float32),
    )(in_feat, W1, deg_src)

    q_off = (jnp.arange(NQ, dtype=jnp.int32) * N_PAD)[:, None]
    srcidx = (ei[0][None, :] + q_off).reshape(NQ, NSUB, NCHUNK, CHUNK)
    dstidx = ei[1].reshape(NSUB, NCHUNK, CHUNK)
    zeros = jnp.zeros((N_PAD, QF), jnp.float32)

    agg1 = _spmm_kernel(e1.reshape(NQ * N_PAD, QF), srcidx, dstidx, zeros)

    e2 = pl.pallas_call(
        _scale_body,
        grid=(N_PAD // _RBP,),
        in_specs=[
            pl.BlockSpec((NQ, _RBP, QF), lambda i: (0, i, 0)),
            pl.BlockSpec((_RBP, 1), lambda i: (i, 0)),
            pl.BlockSpec((_RBP, 1), lambda i: (i, 0)),
        ],
        out_specs=pl.BlockSpec((NQ, _RBP, QF), lambda i: (0, i, 0)),
        out_shape=jax.ShapeDtypeStruct((NQ, N_PAD, QF), jnp.float32),
    )(agg1, deg_src, deg_dst)

    agg2 = _spmm_kernel(e2.reshape(NQ * N_PAD, QF), srcidx, dstidx, zeros)

    res = pl.pallas_call(
        _final_body,
        grid=(N_NODES // _RB,),
        in_specs=[
            pl.BlockSpec(memory_space=pltpu.SMEM),
            pl.BlockSpec((NQ, _RB, QF), lambda i: (0, i, 0)),
            pl.BlockSpec((NQ, _RB, QF), lambda i: (0, i, 0)),
            pl.BlockSpec((_RB, 1), lambda i: (i, 0)),
        ],
        out_specs=pl.BlockSpec((_RB, H_FEATS), lambda i: (i, 0)),
        out_shape=jax.ShapeDtypeStruct((N_NODES, H_FEATS), jnp.float32),
    )(a, agg1, agg2, deg_dst)
    return res

# --- scband reference (transcript-rebuilt; emitter-appended) ---
"""Pipeline reference for scband-light-gcn-60155311947859 (READ-ONLY COPY).

The authoritative reference and input builder live on the scoring server;
editing this copy changes nothing except your own understanding.
"""

import jax, jax.numpy as jnp
import numpy as np

N_NODES = 10000
N_EDGES = 320000
IN_FEATS = 128
H_FEATS = 256
PROP_STEP = 2


def graph_conv(x, src, dst, n_nodes, weight=None):
    # DGL GraphConv with norm='both', bias=False:
    # h = D_in^{-1/2} * A^T * (D_out^{-1/2} * x) @ W
    ones = jnp.ones((src.shape[0],), dtype=x.dtype)
    out_deg = jax.ops.segment_sum(ones, src, num_segments=n_nodes)
    in_deg = jax.ops.segment_sum(ones, dst, num_segments=n_nodes)
    norm_src = jnp.where(out_deg > 0, out_deg, 1.0) ** -0.5
    norm_dst = jnp.where(in_deg > 0, in_deg, 1.0) ** -0.5
    h = x * norm_src[:, None]
    if weight is not None:
        h = h @ weight
    msgs = jnp.take(h, src, axis=0)
    agg = jax.ops.segment_sum(msgs, dst, num_segments=n_nodes)
    return agg * norm_dst[:, None]


def setup_inputs(seed: int = 0) -> dict:
    key = jax.random.key(seed)
    k1, k2, k3 = jax.random.split(key, 3)
    in_feat = jax.random.normal(k1, (N_NODES, IN_FEATS), dtype=jnp.float32)
    edge_index = jax.random.randint(k2, (2, N_EDGES), 0, N_NODES, dtype=jnp.int64)
    # conv1 weight (GraphConv weight=True, bias=False), Glorot-uniform style init
    limit = float(np.sqrt(6.0 / (IN_FEATS + H_FEATS)))
    W1 = jax.random.uniform(k3, (IN_FEATS, H_FEATS), dtype=jnp.float32, minval=-limit, maxval=limit)
    # alphas parameter: exp=False -> ones(prop_step)
    alphas = jnp.ones((PROP_STEP,), dtype=jnp.float32)
    return {"in_feat": in_feat, "edge_index": edge_index, "W1": W1, "alphas": alphas}


def reference(in_feat, edge_index, W1, alphas):
    n = in_feat.shape[0]
    src = edge_index[0]
    dst = edge_index[1]
    a = jax.nn.softmax(alphas, axis=0)
    # conv1: GraphConv(in_feats, h_feats, weight=True, bias=False)
    h = graph_conv(in_feat, src, dst, n, weight=W1)
    res = h * a[0]
    # prop_step=2 -> one more layer with conv2 (weight=False)
    # norm=False, relu=False -> _apply_norm_and_activation is identity
    h = graph_conv(h, src, dst, n, weight=None)
    res = res + h * a[1]
    return res

if __name__ == "__main__":
    import jax
    _d = setup_inputs()
    print(jax.jit(kernel)(*tuple(_d.values())))

</pallas_src>

<mosaic_0001>
#map = affine_map<(d0, d1) -> (0, 0)>
#map1 = affine_map<(d0, d1) -> (0, 0, 0, 0)>
#map2 = affine_map<(d0, d1) -> (0, 0, 0)>
module attributes {stable_mosaic.version = 14 : i64} {
  func.func @_spmm_kernel(%arg0: i32, %arg1: i32, %arg2: memref<40960x64xf32, #tpu.memory_space<hbm>>, %arg3: memref<4x16x250x80xi32, #tpu.memory_space<hbm>>, %arg4: memref<16x250x80xi32, #tpu.memory_space<hbm>>, %arg5: memref<10240x64xf32, #tpu.memory_space<hbm>>, %arg6: memref<4x10240x64xf32, #tpu.memory_space<hbm>>, %arg7: memref<2x250x80xi32, #tpu.memory_space<vmem>>, %arg8: memref<250x80xi32, #tpu.memory_space<vmem>>, %arg9: memref<2x80x64xf32, #tpu.memory_space<vmem>>, %arg10: memref<10240x64xf32, #tpu.memory_space<vmem_shared>>, %arg11: memref<!tpu.dma_semaphore, #tpu.memory_space<semaphore_mem>>) attributes {dimension_semantics = [#tpu.dimension_semantics<core_parallel>, #tpu.dimension_semantics<subcore_parallel>], iteration_bounds = array<i64: 2, 16>, scalar_prefetch = 0 : i64, scratch_operands = 5 : i64, tpu.core_type = #tpu.core_type<sc_vector_subcore>, window_params = [{transform_indices = #map}, {transform_indices = #map1}, {transform_indices = #map2}, {transform_indices = #map}, {transform_indices = #map2}]} {
    %mul3A = arith.constant 2 : i32
    %mul3A_0 = arith.muli %arg0, %mul3A : i32
    %run_scoped3A = arith.constant 0 : i32
    "tpu.region"() ({
      %run_scoped3A_115 = tpu.sem_alloc : memref<!tpu.dma_semaphore, #tpu.memory_space<semaphore_mem>>
      %dma_start3A_116 = arith.constant 0 : i32
      %dma_start3A_117 = arith.constant 0 : i32
      %dma_start3A_118 = tpu.memref_slice %arg7[%run_scoped3A, %dma_start3A_116, %dma_start3A_117] : memref<2x250x80xi32, #tpu.memory_space<vmem>> -> memref<1x250x80xi32, #tpu.memory_space<vmem>>
      %dma_start3A_119 = tpu.memref_squeeze %dma_start3A_118 : memref<1x250x80xi32, #tpu.memory_space<vmem>> -> memref<250x80xi32, #tpu.memory_space<vmem>>
      %dma_start3A_120 = arith.constant 0 : i32
      %dma_start3A_121 = arith.constant 0 : i32
      %dma_start3A_122 = tpu.memref_slice %arg3[%mul3A_0, %arg1, %dma_start3A_120, %dma_start3A_121] : memref<4x16x250x80xi32, #tpu.memory_space<hbm>> -> memref<1x1x250x80xi32, #tpu.memory_space<hbm>>
      %dma_start3A_123 = tpu.memref_squeeze %dma_start3A_122 : memref<1x1x250x80xi32, #tpu.memory_space<hbm>> -> memref<250x80xi32, #tpu.memory_space<hbm>>
      %dma_start3A_124 = arith.constant 0 : i32
      %dma_start3A_125 = arith.constant 0 : i32
      %dma_start3A_126 = tpu.memref_slice %arg7[%run_scoped3A, %dma_start3A_124, %dma_start3A_125] : memref<2x250x80xi32, #tpu.memory_space<vmem>> -> memref<1x250x80xi32, #tpu.memory_space<vmem>>
      %dma_start3A_127 = tpu.memref_squeeze %dma_start3A_126 : memref<1x250x80xi32, #tpu.memory_space<vmem>> -> memref<250x80xi32, #tpu.memory_space<vmem>>
      %dma_start3A_128 = arith.constant 0 : i32
      %dma_start3A_129 = arith.constant 0 : i32
      %dma_start3A_130 = tpu.memref_slice %arg3[%mul3A_0, %arg1, %dma_start3A_128, %dma_start3A_129] : memref<4x16x250x80xi32, #tpu.memory_space<hbm>> -> memref<1x1x250x80xi32, #tpu.memory_space<hbm>>
      %dma_start3A_131 = tpu.memref_squeeze %dma_start3A_130 : memref<1x1x250x80xi32, #tpu.memory_space<hbm>> -> memref<250x80xi32, #tpu.memory_space<hbm>>
      tpu.enqueue_dma source(%dma_start3A_131 : memref<250x80xi32, #tpu.memory_space<hbm>>) target(%dma_start3A_127 : memref<250x80xi32, #tpu.memory_space<vmem>>) target_semaphore(%run_scoped3A_115 : memref<!tpu.dma_semaphore, #tpu.memory_space<semaphore_mem>>)
      %dma_wait3A_132 = arith.constant 0 : i32
      %dma_wait3A_133 = arith.constant 0 : i32
      %dma_wait3A_134 = tpu.memref_slice %arg7[%run_scoped3A, %dma_wait3A_132, %dma_wait3A_133] : memref<2x250x80xi32, #tpu.memory_space<vmem>> -> memref<1x250x80xi32, #tpu.memory_space<vmem>>
      %dma_wait3A_135 = tpu.memref_squeeze %dma_wait3A_134 : memref<1x250x80xi32, #tpu.memory_space<vmem>> -> memref<250x80xi32, #tpu.memory_space<vmem>>
      %dma_wait3A_136 = arith.constant 0 : i32
      %dma_wait3A_137 = arith.constant 0 : i32
      %dma_wait3A_138 = tpu.memref_slice %arg3[%mul3A_0, %arg1, %dma_wait3A_136, %dma_wait3A_137] : memref<4x16x250x80xi32, #tpu.memory_space<hbm>> -> memref<1x1x250x80xi32, #tpu.memory_space<hbm>>
      %dma_wait3A_139 = tpu.memref_squeeze %dma_wait3A_138 : memref<1x1x250x80xi32, #tpu.memory_space<hbm>> -> memref<250x80xi32, #tpu.memory_space<hbm>>
      %dma_wait3A_140 = arith.constant 0 : i32
      %dma_wait3A_141 = arith.constant 0 : i32
      %dma_wait3A_142 = tpu.memref_slice %arg7[%run_scoped3A, %dma_wait3A_140, %dma_wait3A_141] : memref<2x250x80xi32, #tpu.memory_space<vmem>> -> memref<1x250x80xi32, #tpu.memory_space<vmem>>
      %dma_wait3A_143 = tpu.memref_squeeze %dma_wait3A_142 : memref<1x250x80xi32, #tpu.memory_space<vmem>> -> memref<250x80xi32, #tpu.memory_space<vmem>>
      %dma_wait3A_144 = arith.constant 0 : i32
      %dma_wait3A_145 = arith.constant 0 : i32
      %dma_wait3A_146 = tpu.memref_slice %arg3[%mul3A_0, %arg1, %dma_wait3A_144, %dma_wait3A_145] : memref<4x16x250x80xi32, #tpu.memory_space<hbm>> -> memref<1x1x250x80xi32, #tpu.memory_space<hbm>>
      %dma_wait3A_147 = tpu.memref_squeeze %dma_wait3A_146 : memref<1x1x250x80xi32, #tpu.memory_space<hbm>> -> memref<250x80xi32, #tpu.memory_space<hbm>>
      tpu.wait_dma2 semaphore(%run_scoped3A_115 : memref<!tpu.dma_semaphore, #tpu.memory_space<semaphore_mem>>) src(%dma_wait3A_147 : memref<250x80xi32, #tpu.memory_space<hbm>>) dst(%dma_wait3A_143 : memref<250x80xi32, #tpu.memory_space<vmem>>)
      tpu.yield
    }) : () -> ()
    %mul3A_1 = arith.constant 2 : i32
    %mul3A_2 = arith.muli %arg0, %mul3A_1 : i32
    %add3A = arith.constant 1 : i32
    %add3A_3 = arith.addi %mul3A_2, %add3A : i32
    %run_scoped3A_4 = arith.constant 1 : i32
    "tpu.region"() ({
      %run_scoped3A_115 = tpu.sem_alloc : memref<!tpu.dma_semaphore, #tpu.memory_space<semaphore_mem>>
      %dma_start3A_116 = arith.constant 0 : i32
      %dma_start3A_117 = arith.constant 0 : i32
      %dma_start3A_118 = tpu.memref_slice %arg7[%run_scoped3A_4, %dma_start3A_116, %dma_start3A_117] : memref<2x250x80xi32, #tpu.memory_space<vmem>> -> memref<1x250x80xi32, #tpu.memory_space<vmem>>
      %dma_start3A_119 = tpu.memref_squeeze %dma_start3A_118 : memref<1x250x80xi32, #tpu.memory_space<vmem>> -> memref<250x80xi32, #tpu.memory_space<vmem>>
      %dma_start3A_120 = arith.constant 0 : i32
      %dma_start3A_121 = arith.constant 0 : i32
      %dma_start3A_122 = tpu.memref_slice %arg3[%add3A_3, %arg1, %dma_start3A_120, %dma_start3A_121] : memref<4x16x250x80xi32, #tpu.memory_space<hbm>> -> memref<1x1x250x80xi32, #tpu.memory_space<hbm>>
      %dma_start3A_123 = tpu.memref_squeeze %dma_start3A_122 : memref<1x1x250x80xi32, #tpu.memory_space<hbm>> -> memref<250x80xi32, #tpu.memory_space<hbm>>
      %dma_start3A_124 = arith.constant 0 : i32
      %dma_start3A_125 = arith.constant 0 : i32
      %dma_start3A_126 = tpu.memref_slice %arg7[%run_scoped3A_4, %dma_start3A_124, %dma_start3A_125] : memref<2x250x80xi32, #tpu.memory_space<vmem>> -> memref<1x250x80xi32, #tpu.memory_space<vmem>>
      %dma_start3A_127 = tpu.memref_squeeze %dma_start3A_126 : memref<1x250x80xi32, #tpu.memory_space<vmem>> -> memref<250x80xi32, #tpu.memory_space<vmem>>
      %dma_start3A_128 = arith.constant 0 : i32
      %dma_start3A_129 = arith.constant 0 : i32
      %dma_start3A_130 = tpu.memref_slice %arg3[%add3A_3, %arg1, %dma_start3A_128, %dma_start3A_129] : memref<4x16x250x80xi32, #tpu.memory_space<hbm>> -> memref<1x1x250x80xi32, #tpu.memory_space<hbm>>
      %dma_start3A_131 = tpu.memref_squeeze %dma_start3A_130 : memref<1x1x250x80xi32, #tpu.memory_space<hbm>> -> memref<250x80xi32, #tpu.memory_space<hbm>>
      tpu.enqueue_dma source(%dma_start3A_131 : memref<250x80xi32, #tpu.memory_space<hbm>>) target(%dma_start3A_127 : memref<250x80xi32, #tpu.memory_space<vmem>>) target_semaphore(%run_scoped3A_115 : memref<!tpu.dma_semaphore, #tpu.memory_space<semaphore_mem>>)
      %dma_wait3A_132 = arith.constant 0 : i32
      %dma_wait3A_133 = arith.constant 0 : i32
      %dma_wait3A_134 = tpu.memref_slice %arg7[%run_scoped3A_4, %dma_wait3A_132, %dma_wait3A_133] : memref<2x250x80xi32, #tpu.memory_space<vmem>> -> memref<1x250x80xi32, #tpu.memory_space<vmem>>
      %dma_wait3A_135 = tpu.memref_squeeze %dma_wait3A_134 : memref<1x250x80xi32, #tpu.memory_space<vmem>> -> memref<250x80xi32, #tpu.memory_space<vmem>>
      %dma_wait3A_136 = arith.constant 0 : i32
      %dma_wait3A_137 = arith.constant 0 : i32
      %dma_wait3A_138 = tpu.memref_slice %arg3[%add3A_3, %arg1, %dma_wait3A_136, %dma_wait3A_137] : memref<4x16x250x80xi32, #tpu.memory_space<hbm>> -> memref<1x1x250x80xi32, #tpu.memory_space<hbm>>
      %dma_wait3A_139 = tpu.memref_squeeze %dma_wait3A_138 : memref<1x1x250x80xi32, #tpu.memory_space<hbm>> -> memref<250x80xi32, #tpu.memory_space<hbm>>
      %dma_wait3A_140 = arith.constant 0 : i32
      %dma_wait3A_141 = arith.constant 0 : i32
      %dma_wait3A_142 = tpu.memref_slice %arg7[%run_scoped3A_4, %dma_wait3A_140, %dma_wait3A_141] : memref<2x250x80xi32, #tpu.memory_space<vmem>> -> memref<1x250x80xi32, #tpu.memory_space<vmem>>
      %dma_wait3A_143 = tpu.memref_squeeze %dma_wait3A_142 : memref<1x250x80xi32, #tpu.memory_space<vmem>> -> memref<250x80xi32, #tpu.memory_space<vmem>>
      %dma_wait3A_144 = arith.constant 0 : i32
      %dma_wait3A_145 = arith.constant 0 : i32
      %dma_wait3A_146 = tpu.memref_slice %arg3[%add3A_3, %arg1, %dma_wait3A_144, %dma_wait3A_145] : memref<4x16x250x80xi32, #tpu.memory_space<hbm>> -> memref<1x1x250x80xi32, #tpu.memory_space<hbm>>
      %dma_wait3A_147 = tpu.memref_squeeze %dma_wait3A_146 : memref<1x1x250x80xi32, #tpu.memory_space<hbm>> -> memref<250x80xi32, #tpu.memory_space<hbm>>
      tpu.wait_dma2 semaphore(%run_scoped3A_115 : memref<!tpu.dma_semaphore, #tpu.memory_space<semaphore_mem>>) src(%dma_wait3A_147 : memref<250x80xi32, #tpu.memory_space<hbm>>) dst(%dma_wait3A_143 : memref<250x80xi32, #tpu.memory_space<vmem>>)
      tpu.yield
    }) : () -> ()
    "tpu.region"() ({
      %run_scoped3A_115 = tpu.sem_alloc : memref<!tpu.dma_semaphore, #tpu.memory_space<semaphore_mem>>
      %dma_start3A_116 = arith.constant 0 : i32
      %dma_start3A_117 = arith.constant 0 : i32
      %dma_start3A_118 = tpu.memref_slice %arg4[%arg1, %dma_start3A_116, %dma_start3A_117] : memref<16x250x80xi32, #tpu.memory_space<hbm>> -> memref<1x250x80xi32, #tpu.memory_space<hbm>>
      %dma_start3A_119 = tpu.memref_squeeze %dma_start3A_118 : memref<1x250x80xi32, #tpu.memory_space<hbm>> -> memref<250x80xi32, #tpu.memory_space<hbm>>
      %dma_start3A_120 = arith.constant 0 : i32
      %dma_start3A_121 = arith.constant 0 : i32
      %dma_start3A_122 = tpu.memref_slice %arg4[%arg1, %dma_start3A_120, %dma_start3A_121] : memref<16x250x80xi32, #tpu.memory_space<hbm>> -> memref<1x250x80xi32, #tpu.memory_space<hbm>>
      %dma_start3A_123 = tpu.memref_squeeze %dma_start3A_122 : memref<1x250x80xi32, #tpu.memory_space<hbm>> -> memref<250x80xi32, #tpu.memory_space<hbm>>
      tpu.enqueue_dma source(%dma_start3A_123 : memref<250x80xi32, #tpu.memory_space<hbm>>) target(%arg8 : memref<250x80xi32, #tpu.memory_space<vmem>>) target_semaphore(%run_scoped3A_115 : memref<!tpu.dma_semaphore, #tpu.memory_space<semaphore_mem>>)
      %dma_wait3A_124 = arith.constant 0 : i32
      %dma_wait3A_125 = arith.constant 0 : i32
      %dma_wait3A_126 = tpu.memref_slice %arg4[%arg1, %dma_wait3A_124, %dma_wait3A_125] : memref<16x250x80xi32, #tpu.memory_space<hbm>> -> memref<1x250x80xi32, #tpu.memory_space<hbm>>
      %dma_wait3A_127 = tpu.memref_squeeze %dma_wait3A_126 : memref<1x250x80xi32, #tpu.memory_space<hbm>> -> memref<250x80xi32, #tpu.memory_space<hbm>>
      %dma_wait3A_128 = arith.constant 0 : i32
      %dma_wait3A_129 = arith.constant 0 : i32
      %dma_wait3A_130 = tpu.memref_slice %arg4[%arg1, %dma_wait3A_128, %dma_wait3A_129] : memref<16x250x80xi32, #tpu.memory_space<hbm>> -> memref<1x250x80xi32, #tpu.memory_space<hbm>>
      %dma_wait3A_131 = tpu.memref_squeeze %dma_wait3A_130 : memref<1x250x80xi32, #tpu.memory_space<hbm>> -> memref<250x80xi32, #tpu.memory_space<hbm>>
      tpu.wait_dma2 semaphore(%run_scoped3A_115 : memref<!tpu.dma_semaphore, #tpu.memory_space<semaphore_mem>>) src(%dma_wait3A_131 : memref<250x80xi32, #tpu.memory_space<hbm>>) dst(%arg8 : memref<250x80xi32, #tpu.memory_space<vmem>>)
      tpu.yield
    }) : () -> ()
    %mul3A_5 = arith.constant 640 : i32
    %mul3A_6 = arith.muli %arg1, %mul3A_5 : i32
    %mul3A_7 = arith.constant 640 : i32
    %mul3A_8 = arith.muli %arg1, %mul3A_7 : i32
    "tpu.region"() ({
      %run_scoped3A_115 = tpu.sem_alloc : memref<!tpu.dma_semaphore, #tpu.memory_space<semaphore_mem>>
      %dma_start3A_116 = arith.constant 0 : i32
      %dma_start3A_117 = tpu.memref_slice %arg10[%mul3A_8, %dma_start3A_116] : memref<10240x64xf32, #tpu.memory_space<vmem_shared>> -> memref<640x64xf32, #tpu.memory_space<vmem_shared>>
      %dma_start3A_118 = arith.constant 0 : i32
      %dma_start3A_119 = tpu.memref_slice %arg5[%mul3A_6, %dma_start3A_118] : memref<10240x64xf32, #tpu.memory_space<hbm>> -> memref<640x64xf32, #tpu.memory_space<hbm>>
      tpu.enqueue_dma source(%dma_start3A_119 : memref<640x64xf32, #tpu.memory_space<hbm>>) target(%dma_start3A_117 : memref<640x64xf32, #tpu.memory_space<vmem_shared>>) target_semaphore(%run_scoped3A_115 : memref<!tpu.dma_semaphore, #tpu.memory_space<semaphore_mem>>)
      %dma_wait3A_120 = arith.constant 0 : i32
      %dma_wait3A_121 = tpu.memref_slice %arg10[%mul3A_8, %dma_wait3A_120] : memref<10240x64xf32, #tpu.memory_space<vmem_shared>> -> memref<640x64xf32, #tpu.memory_space<vmem_shared>>
      %dma_wait3A_122 = arith.constant 0 : i32
      %dma_wait3A_123 = tpu.memref_slice %arg5[%mul3A_6, %dma_wait3A_122] : memref<10240x64xf32, #tpu.memory_space<hbm>> -> memref<640x64xf32, #tpu.memory_space<hbm>>
      tpu.wait_dma2 semaphore(%run_scoped3A_115 : memref<!tpu.dma_semaphore, #tpu.memory_space<semaphore_mem>>) src(%dma_wait3A_123 : memref<640x64xf32, #tpu.memory_space<hbm>>) dst(%dma_wait3A_121 : memref<640x64xf32, #tpu.memory_space<vmem_shared>>)
      tpu.yield
    }) : () -> ()
    %barrier3A = arith.constant 0 : index
    tpu.barrier barrier_id(%barrier3A)
    %dma_start3A = arith.constant 0 : i32
    %dma_start3A_9 = arith.constant 0 : i32
    %dma_start3A_10 = arith.constant 0 : i32
    %dma_start3A_11 = arith.constant 0 : i32
    %dma_start3A_12 = arith.constant 0 : i32
    %dma_start3A_13 = tpu.memref_slice %arg9[%dma_start3A_10, %dma_start3A_11, %dma_start3A_12] : memref<2x80x64xf32, #tpu.memory_space<vmem>> -> memref<1x80x64xf32, #tpu.memory_space<vmem>>
    %dma_start3A_14 = tpu.memref_squeeze %dma_start3A_13 : memref<1x80x64xf32, #tpu.memory_space<vmem>> -> memref<80x64xf32, #tpu.memory_space<vmem>>
    %dma_start3A_15 = arith.constant 0 : i32
    %dma_start3A_16 = arith.constant 0 : i32
    %dma_start3A_17 = tpu.memref_slice %arg7[%dma_start3A, %dma_start3A_15, %dma_start3A_16] : memref<2x250x80xi32, #tpu.memory_space<vmem>> -> memref<1x250x80xi32, #tpu.memory_space<vmem>>
    %dma_start3A_18 = tpu.memref_squeeze %dma_start3A_17 : memref<1x250x80xi32, #tpu.memory_space<vmem>> -> memref<250x80xi32, #tpu.memory_space<vmem>>
    %dma_start3A_19 = arith.constant 0 : i32
    %dma_start3A_20 = tpu.memref_slice %dma_start3A_18[%dma_start3A_9, %dma_start3A_19] : memref<250x80xi32, #tpu.memory_space<vmem>> -> memref<1x80xi32, #tpu.memory_space<vmem>>
    %dma_start3A_21 = tpu.memref_squeeze %dma_start3A_20 : memref<1x80xi32, #tpu.memory_space<vmem>> -> memref<80xi32, #tpu.memory_space<vmem>>
    %dma_start3A_22 = arith.constant 0 : i32
    %dma_start3A_23 = arith.constant 0 : i32
    %dma_start3A_24 = tpu.memref_slice %arg2[%dma_start3A_22, %dma_start3A_23] : memref<40960x64xf32, #tpu.memory_space<hbm>> -> memref<40960x64xf32, #tpu.memory_space<hbm>>
    tpu.enqueue_indirect_dma source(%dma_start3A_24 : memref<40960x64xf32, #tpu.memory_space<hbm>>) target(%dma_start3A_14 : memref<80x64xf32, #tpu.memory_space<vmem>>) offsets(%dma_start3A_21 : memref<80xi32, #tpu.memory_space<vmem>>) semaphore(%arg11 : memref<!tpu.dma_semaphore, #tpu.memory_space<semaphore_mem>>)
    %dma_wait3A = arith.constant 0 : i32
    %dma_wait3A_25 = arith.constant 0 : i32
    %dma_wait3A_26 = arith.constant 0 : i32
    %dma_wait3A_27 = arith.constant 0 : i32
    %dma_wait3A_28 = arith.constant 0 : i32
    %dma_wait3A_29 = tpu.memref_slice %arg9[%dma_wait3A_26, %dma_wait3A_27, %dma_wait3A_28] : memref<2x80x64xf32, #tpu.memory_space<vmem>> -> memref<1x80x64xf32, #tpu.memory_space<vmem>>
    %dma_wait3A_30 = tpu.memref_squeeze %dma_wait3A_29 : memref<1x80x64xf32, #tpu.memory_space<vmem>> -> memref<80x64xf32, #tpu.memory_space<vmem>>
    %dma_wait3A_31 = arith.constant 0 : i32
    %dma_wait3A_32 = arith.constant 0 : i32
    %dma_wait3A_33 = tpu.memref_slice %arg7[%dma_wait3A, %dma_wait3A_31, %dma_wait3A_32] : memref<2x250x80xi32, #tpu.memory_space<vmem>> -> memref<1x250x80xi32, #tpu.memory_space<vmem>>
    %dma_wait3A_34 = tpu.memref_squeeze %dma_wait3A_33 : memref<1x250x80xi32, #tpu.memory_space<vmem>> -> memref<250x80xi32, #tpu.memory_space<vmem>>
    %dma_wait3A_35 = arith.constant 0 : i32
    %dma_wait3A_36 = tpu.memref_slice %dma_wait3A_34[%dma_wait3A_25, %dma_wait3A_35] : memref<250x80xi32, #tpu.memory_space<vmem>> -> memref<1x80xi32, #tpu.memory_space<vmem>>
    %dma_wait3A_37 = tpu.memref_squeeze %dma_wait3A_36 : memref<1x80xi32, #tpu.memory_space<vmem>> -> memref<80xi32, #tpu.memory_space<vmem>>
    %dma_wait3A_38 = arith.constant 0 : i32
    %dma_wait3A_39 = arith.constant 0 : i32
    %dma_wait3A_40 = tpu.memref_slice %arg2[%dma_wait3A_38, %dma_wait3A_39] : memref<40960x64xf32, #tpu.memory_space<hbm>> -> memref<40960x64xf32, #tpu.memory_space<hbm>>
    tpu.wait_indirect_dma semaphore(%arg11 : memref<!tpu.dma_semaphore, #tpu.memory_space<semaphore_mem>>) src(%dma_wait3A_40 : memref<40960x64xf32, #tpu.memory_space<hbm>>) dst(%dma_wait3A_30 : memref<80x64xf32, #tpu.memory_space<vmem>>)
    %scan3A = arith.constant 0 : i32
    %scan3A_41 = arith.constant 0 : i32
    %scan3A_42 = arith.constant 0 : i32
    %scan3A_43 = arith.constant 249 : i32
    %scan3A_44 = arith.addi %scan3A_42, %scan3A_43 : i32
    %scan3A_45 = arith.constant 1 : i32
    scf.for %scan3A_115 = %scan3A_42 to %scan3A_44 step %scan3A_45  : i32 {
      %add3A_116 = arith.constant 1 : i32
      %add3A_117 = arith.addi %scan3A_115, %add3A_116 : i32
      %add3A_118 = arith.constant 1 : i32
      %add3A_119 = arith.addi %scan3A_115, %add3A_118 : i32
      %jit3A = arith.constant 2 : i32
      %eq3A = arith.constant 0 : i32
      %eq3A_120 = arith.cmpi eq, %jit3A, %eq3A : i32
      %jit3A_121 = arith.constant 1 : i32
      %select_n3A = arith.select %eq3A_120, %jit3A_121, %jit3A : i32
      %rem3A = arith.remsi %add3A_119, %select_n3A : i32
      %ne3A = arith.constant 0 : i32
      %ne3A_122 = arith.cmpi ne, %rem3A, %ne3A : i32
      %lt3A = arith.constant 0 : i32
      %lt3A_123 = arith.cmpi slt, %rem3A, %lt3A : i32
      %lt3A_124 = arith.constant 0 : i32
      %lt3A_125 = arith.cmpi slt, %select_n3A, %lt3A_124 : i32
      %ne3A_126 = arith.xori %lt3A_123, %lt3A_125 : i1
      %and3A = arith.andi %ne3A_126, %ne3A_122 : i1
      %add3A_127 = arith.addi %rem3A, %select_n3A : i32
      %select_n3A_128 = arith.select %and3A, %add3A_127, %rem3A : i32
      %dma_start3A_129 = arith.constant 0 : i32
      %dma_start3A_130 = arith.constant 0 : i32
      %dma_start3A_131 = tpu.memref_slice %arg9[%select_n3A_128, %dma_start3A_129, %dma_start3A_130] : memref<2x80x64xf32, #tpu.memory_space<vmem>> -> memref<1x80x64xf32, #tpu.memory_space<vmem>>
      %dma_start3A_132 = tpu.memref_squeeze %dma_start3A_131 : memref<1x80x64xf32, #tpu.memory_space<vmem>> -> memref<80x64xf32, #tpu.memory_space<vmem>>
      %dma_start3A_133 = arith.constant 0 : i32
      %dma_start3A_134 = arith.constant 0 : i32
      %dma_start3A_135 = tpu.memref_slice %arg7[%scan3A_41, %dma_start3A_133, %dma_start3A_134] : memref<2x250x80xi32, #tpu.memory_space<vmem>> -> memref<1x250x80xi32, #tpu.memory_space<vmem>>
      %dma_start3A_136 = tpu.memref_squeeze %dma_start3A_135 : memref<1x250x80xi32, #tpu.memory_space<vmem>> -> memref<250x80xi32, #tpu.memory_space<vmem>>
      %dma_start3A_137 = arith.constant 0 : i32
      %dma_start3A_138 = tpu.memref_slice %dma_start3A_136[%add3A_117, %dma_start3A_137] : memref<250x80xi32, #tpu.memory_space<vmem>> -> memref<1x80xi32, #tpu.memory_space<vmem>>
      %dma_start3A_139 = tpu.memref_squeeze %dma_start3A_138 : memref<1x80xi32, #tpu.memory_space<vmem>> -> memref<80xi32, #tpu.memory_space<vmem>>
      %dma_start3A_140 = arith.constant 0 : i32
      %dma_start3A_141 = arith.constant 0 : i32
      %dma_start3A_142 = tpu.memref_slice %arg2[%dma_start3A_140, %dma_start3A_141] : memref<40960x64xf32, #tpu.memory_space<hbm>> -> memref<40960x64xf32, #tpu.memory_space<hbm>>
      tpu.enqueue_indirect_dma source(%dma_start3A_142 : memref<40960x64xf32, #tpu.memory_space<hbm>>) target(%dma_start3A_132 : memref<80x64xf32, #tpu.memory_space<vmem>>) offsets(%dma_start3A_139 : memref<80xi32, #tpu.memory_space<vmem>>) semaphore(%arg11 : memref<!tpu.dma_semaphore, #tpu.memory_space<semaphore_mem>>)
      %jit3A_143 = arith.constant 2 : i32
      %eq3A_144 = arith.constant 0 : i32
      %eq3A_145 = arith.cmpi eq, %jit3A_143, %eq3A_144 : i32
      %jit3A_146 = arith.constant 1 : i32
      %select_n3A_147 = arith.select %eq3A_145, %jit3A_146, %jit3A_143 : i32
      %rem3A_148 = arith.remsi %scan3A_115, %select_n3A_147 : i32
      %ne3A_149 = arith.constant 0 : i32
      %ne3A_150 = arith.cmpi ne, %rem3A_148, %ne3A_149 : i32
      %lt3A_151 = arith.constant 0 : i32
      %lt3A_152 = arith.cmpi slt, %rem3A_148, %lt3A_151 : i32
      %lt3A_153 = arith.constant 0 : i32
      %lt3A_154 = arith.cmpi slt, %select_n3A_147, %lt3A_153 : i32
      %ne3A_155 = arith.xori %lt3A_152, %lt3A_154 : i1
      %and3A_156 = arith.andi %ne3A_155, %ne3A_150 : i1
      %add3A_157 = arith.addi %rem3A_148, %select_n3A_147 : i32
      %select_n3A_158 = arith.select %and3A_156, %add3A_157, %rem3A_148 : i32
      "tpu.region"() ({
        %run_scoped3A_173 = tpu.sem_alloc : memref<!tpu.dma_semaphore, #tpu.memory_space<semaphore_mem>>
        %dma_start3A_174 = arith.constant 0 : i32
        %dma_start3A_175 = arith.constant 0 : i32
        %dma_start3A_176 = tpu.memref_slice %arg9[%select_n3A_158, %dma_start3A_174, %dma_start3A_175] : memref<2x80x64xf32, #tpu.memory_space<vmem>> -> memref<1x80x64xf32, #tpu.memory_space<vmem>>
        %dma_start3A_177 = tpu.memref_squeeze %dma_start3A_176 : memref<1x80x64xf32, #tpu.memory_space<vmem>> -> memref<80x64xf32, #tpu.memory_space<vmem>>
        %dma_start3A_178 = arith.constant 0 : i32
        %dma_start3A_179 = tpu.memref_slice %arg8[%scan3A_115, %dma_start3A_178] : memref<250x80xi32, #tpu.memory_space<vmem>> -> memref<1x80xi32, #tpu.memory_space<vmem>>
        %dma_start3A_180 = tpu.memref_squeeze %dma_start3A_179 : memref<1x80xi32, #tpu.memory_space<vmem>> -> memref<80xi32, #tpu.memory_space<vmem>>
        %dma_start3A_181 = arith.constant 0 : i32
        %dma_start3A_182 = arith.constant 0 : i32
        %dma_start3A_183 = tpu.memref_slice %arg10[%dma_start3A_181, %dma_start3A_182] : memref<10240x64xf32, #tpu.memory_space<vmem_shared>> -> memref<10240x64xf32, #tpu.memory_space<vmem_shared>>
        tpu.enqueue_indirect_dma source(%dma_start3A_177 : memref<80x64xf32, #tpu.memory_space<vmem>>) target(%dma_start3A_183 : memref<10240x64xf32, #tpu.memory_space<vmem_shared>>) offsets(%dma_start3A_180 : memref<80xi32, #tpu.memory_space<vmem>>) semaphore(%run_scoped3A_173 : memref<!tpu.dma_semaphore, #tpu.memory_space<semaphore_mem>>) {add = true}
        %dma_wait3A_184 = arith.constant 0 : i32
        %dma_wait3A_185 = arith.constant 0 : i32
        %dma_wait3A_186 = tpu.memref_slice %arg9[%select_n3A_158, %dma_wait3A_184, %dma_wait3A_185] : memref<2x80x64xf32, #tpu.memory_space<vmem>> -> memref<1x80x64xf32, #tpu.memory_space<vmem>>
        %dma_wait3A_187 = tpu.memref_squeeze %dma_wait3A_186 : memref<1x80x64xf32, #tpu.memory_space<vmem>> -> memref<80x64xf32, #tpu.memory_space<vmem>>
        %dma_wait3A_188 = arith.constant 0 : i32
        %dma_wait3A_189 = tpu.memref_slice %arg8[%scan3A_115, %dma_wait3A_188] : memref<250x80xi32, #tpu.memory_space<vmem>> -> memref<1x80xi32, #tpu.memory_space<vmem>>
        %dma_wait3A_190 = tpu.memref_squeeze %dma_wait3A_189 : memref<1x80xi32, #tpu.memory_space<vmem>> -> memref<80xi32, #tpu.memory_space<vmem>>
        %dma_wait3A_191 = arith.constant 0 : i32
        %dma_wait3A_192 = arith.constant 0 : i32
        %dma_wait3A_193 = tpu.memref_slice %arg10[%dma_wait3A_191, %dma_wait3A_192] : memref<10240x64xf32, #tpu.memory_space<vmem_shared>> -> memref<10240x64xf32, #tpu.memory_space<vmem_shared>>
        tpu.wait_indirect_dma semaphore(%run_scoped3A_173 : memref<!tpu.dma_semaphore, #tpu.memory_space<semaphore_mem>>) src(%dma_wait3A_187 : memref<80x64xf32, #tpu.memory_space<vmem>>) dst(%dma_wait3A_193 : memref<10240x64xf32, #tpu.memory_space<vmem_shared>>)
        tpu.yield
      }) : () -> ()
      %dma_wait3A_159 = arith.constant 0 : i32
      %dma_wait3A_160 = arith.constant 0 : i32
      %dma_wait3A_161 = tpu.memref_slice %arg9[%select_n3A_128, %dma_wait3A_159, %dma_wait3A_160] : memref<2x80x64xf32, #tpu.memory_space<vmem>> -> memref<1x80x64xf32, #tpu.memory_space<vmem>>
      %dma_wait3A_162 = tpu.memref_squeeze %dma_wait3A_161 : memref<1x80x64xf32, #tpu.memory_space<vmem>> -> memref<80x64xf32, #tpu.memory_space<vmem>>
      %dma_wait3A_163 = arith.constant 0 : i32
      %dma_wait3A_164 = arith.constant 0 : i32
      %dma_wait3A_165 = tpu.memref_slice %arg7[%scan3A_41, %dma_wait3A_163, %dma_wait3A_164] : memref<2x250x80xi32, #tpu.memory_space<vmem>> -> memref<1x250x80xi32, #tpu.memory_space<vmem>>
      %dma_wait3A_166 = tpu.memref_squeeze %dma_wait3A_165 : memref<1x250x80xi32, #tpu.memory_space<vmem>> -> memref<250x80xi32, #tpu.memory_space<vmem>>
      %dma_wait3A_167 = arith.constant 0 : i32
      %dma_wait3A_168 = tpu.memref_slice %dma_wait3A_166[%add3A_117, %dma_wait3A_167] : memref<250x80xi32, #tpu.memory_space<vmem>> -> memref<1x80xi32, #tpu.memory_space<vmem>>
      %dma_wait3A_169 = tpu.memref_squeeze %dma_wait3A_168 : memref<1x80xi32, #tpu.memory_space<vmem>> -> memref<80xi32, #tpu.memory_space<vmem>>
      %dma_wait3A_170 = arith.constant 0 : i32
      %dma_wait3A_171 = arith.constant 0 : i32
      %dma_wait3A_172 = tpu.memref_slice %arg2[%dma_wait3A_170, %dma_wait3A_171] : memref<40960x64xf32, #tpu.memory_space<hbm>> -> memref<40960x64xf32, #tpu.memory_space<hbm>>
      tpu.wait_indirect_dma semaphore(%arg11 : memref<!tpu.dma_semaphore, #tpu.memory_space<semaphore_mem>>) src(%dma_wait3A_172 : memref<40960x64xf32, #tpu.memory_space<hbm>>) dst(%dma_wait3A_162 : memref<80x64xf32, #tpu.memory_space<vmem>>)
    }
    %scan3A_46 = arith.constant 249 : i32
    %run_scoped3A_47 = arith.constant 1 : i32
    %run_scoped3A_48 = arith.constant 249 : i32
    "tpu.region"() ({
      %run_scoped3A_115 = tpu.sem_alloc : memref<!tpu.dma_semaphore, #tpu.memory_space<semaphore_mem>>
      %dma_start3A_116 = arith.constant 0 : i32
      %dma_start3A_117 = arith.constant 0 : i32
      %dma_start3A_118 = tpu.memref_slice %arg9[%run_scoped3A_47, %dma_start3A_116, %dma_start3A_117] : memref<2x80x64xf32, #tpu.memory_space<vmem>> -> memref<1x80x64xf32, #tpu.memory_space<vmem>>
      %dma_start3A_119 = tpu.memref_squeeze %dma_start3A_118 : memref<1x80x64xf32, #tpu.memory_space<vmem>> -> memref<80x64xf32, #tpu.memory_space<vmem>>
      %dma_start3A_120 = arith.constant 0 : i32
      %dma_start3A_121 = tpu.memref_slice %arg8[%run_scoped3A_48, %dma_start3A_120] : memref<250x80xi32, #tpu.memory_space<vmem>> -> memref<1x80xi32, #tpu.memory_space<vmem>>
      %dma_start3A_122 = tpu.memref_squeeze %dma_start3A_121 : memref<1x80xi32, #tpu.memory_space<vmem>> -> memref<80xi32, #tpu.memory_space<vmem>>
      %dma_start3A_123 = arith.constant 0 : i32
      %dma_start3A_124 = arith.constant 0 : i32
      %dma_start3A_125 = tpu.memref_slice %arg10[%dma_start3A_123, %dma_start3A_124] : memref<10240x64xf32, #tpu.memory_space<vmem_shared>> -> memref<10240x64xf32, #tpu.memory_space<vmem_shared>>
      tpu.enqueue_indirect_dma source(%dma_start3A_119 : memref<80x64xf32, #tpu.memory_space<vmem>>) target(%dma_start3A_125 : memref<10240x64xf32, #tpu.memory_space<vmem_shared>>) offsets(%dma_start3A_122 : memref<80xi32, #tpu.memory_space<vmem>>) semaphore(%run_scoped3A_115 : memref<!tpu.dma_semaphore, #tpu.memory_space<semaphore_mem>>) {add = true}
      %dma_wait3A_126 = arith.constant 0 : i32
      %dma_wait3A_127 = arith.constant 0 : i32
      %dma_wait3A_128 = tpu.memref_slice %arg9[%run_scoped3A_47, %dma_wait3A_126, %dma_wait3A_127] : memref<2x80x64xf32, #tpu.memory_space<vmem>> -> memref<1x80x64xf32, #tpu.memory_space<vmem>>
      %dma_wait3A_129 = tpu.memref_squeeze %dma_wait3A_128 : memref<1x80x64xf32, #tpu.memory_space<vmem>> -> memref<80x64xf32, #tpu.memory_space<vmem>>
      %dma_wait3A_130 = arith.constant 0 : i32
      %dma_wait3A_131 = tpu.memref_slice %arg8[%run_scoped3A_48, %dma_wait3A_130] : memref<250x80xi32, #tpu.memory_space<vmem>> -> memref<1x80xi32, #tpu.memory_space<vmem>>
      %dma_wait3A_132 = tpu.memref_squeeze %dma_wait3A_131 : memref<1x80xi32, #tpu.memory_space<vmem>> -> memref<80xi32, #tpu.memory_space<vmem>>
      %dma_wait3A_133 = arith.constant 0 : i32
      %dma_wait3A_134 = arith.constant 0 : i32
      %dma_wait3A_135 = tpu.memref_slice %arg10[%dma_wait3A_133, %dma_wait3A_134] : memref<10240x64xf32, #tpu.memory_space<vmem_shared>> -> memref<10240x64xf32, #tpu.memory_space<vmem_shared>>
      tpu.wait_indirect_dma semaphore(%run_scoped3A_115 : memref<!tpu.dma_semaphore, #tpu.memory_space<semaphore_mem>>) src(%dma_wait3A_129 : memref<80x64xf32, #tpu.memory_space<vmem>>) dst(%dma_wait3A_135 : memref<10240x64xf32, #tpu.memory_space<vmem_shared>>)
      tpu.yield
    }) : () -> ()
    %barrier3A_49 = arith.constant 0 : index
    tpu.barrier barrier_id(%barrier3A_49)
    %mul3A_50 = arith.constant 640 : i32
    %mul3A_51 = arith.muli %arg1, %mul3A_50 : i32
    %mul3A_52 = arith.constant 2 : i32
    %mul3A_53 = arith.muli %arg0, %mul3A_52 : i32
    %add3A_54 = arith.constant 0 : i32
    %add3A_55 = arith.addi %mul3A_53, %add3A_54 : i32
    %mul3A_56 = arith.constant 640 : i32
    %mul3A_57 = arith.muli %arg1, %mul3A_56 : i32
    "tpu.region"() ({
      %run_scoped3A_115 = tpu.sem_alloc : memref<!tpu.dma_semaphore, #tpu.memory_space<semaphore_mem>>
      %dma_start3A_116 = arith.constant 0 : i32
      %dma_start3A_117 = tpu.memref_slice %arg6[%add3A_55, %mul3A_57, %dma_start3A_116] : memref<4x10240x64xf32, #tpu.memory_space<hbm>> -> memref<1x640x64xf32, #tpu.memory_space<hbm>>
      %dma_start3A_118 = tpu.memref_squeeze %dma_start3A_117 : memref<1x640x64xf32, #tpu.memory_space<hbm>> -> memref<640x64xf32, #tpu.memory_space<hbm>>
      %dma_start3A_119 = arith.constant 0 : i32
      %dma_start3A_120 = tpu.memref_slice %arg10[%mul3A_51, %dma_start3A_119] : memref<10240x64xf32, #tpu.memory_space<vmem_shared>> -> memref<640x64xf32, #tpu.memory_space<vmem_shared>>
      tpu.enqueue_dma source(%dma_start3A_120 : memref<640x64xf32, #tpu.memory_space<vmem_shared>>) target(%dma_start3A_118 : memref<640x64xf32, #tpu.memory_space<hbm>>) target_semaphore(%run_scoped3A_115 : memref<!tpu.dma_semaphore, #tpu.memory_space<semaphore_mem>>)
      %dma_wait3A_121 = arith.constant 0 : i32
      %dma_wait3A_122 = tpu.memref_slice %arg6[%add3A_55, %mul3A_57, %dma_wait3A_121] : memref<4x10240x64xf32, #tpu.memory_space<hbm>> -> memref<1x640x64xf32, #tpu.memory_space<hbm>>
      %dma_wait3A_123 = tpu.memref_squeeze %dma_wait3A_122 : memref<1x640x64xf32, #tpu.memory_space<hbm>> -> memref<640x64xf32, #tpu.memory_space<hbm>>
      %dma_wait3A_124 = arith.constant 0 : i32
      %dma_wait3A_125 = tpu.memref_slice %arg10[%mul3A_51, %dma_wait3A_124] : memref<10240x64xf32, #tpu.memory_space<vmem_shared>> -> memref<640x64xf32, #tpu.memory_space<vmem_shared>>
      tpu.wait_dma2 semaphore(%run_scoped3A_115 : memref<!tpu.dma_semaphore, #tpu.memory_space<semaphore_mem>>) src(%dma_wait3A_125 : memref<640x64xf32, #tpu.memory_space<vmem_shared>>) dst(%dma_wait3A_123 : memref<640x64xf32, #tpu.memory_space<hbm>>)
      tpu.yield
    }) : () -> ()
    %mul3A_58 = arith.constant 640 : i32
    %mul3A_59 = arith.muli %arg1, %mul3A_58 : i32
    %mul3A_60 = arith.constant 640 : i32
    %mul3A_61 = arith.muli %arg1, %mul3A_60 : i32
    "tpu.region"() ({
      %run_scoped3A_115 = tpu.sem_alloc : memref<!tpu.dma_semaphore, #tpu.memory_space<semaphore_mem>>
      %dma_start3A_116 = arith.constant 0 : i32
      %dma_start3A_117 = tpu.memref_slice %arg10[%mul3A_61, %dma_start3A_116] : memref<10240x64xf32, #tpu.memory_space<vmem_shared>> -> memref<640x64xf32, #tpu.memory_space<vmem_shared>>
      %dma_start3A_118 = arith.constant 0 : i32
      %dma_start3A_119 = tpu.memref_slice %arg5[%mul3A_59, %dma_start3A_118] : memref<10240x64xf32, #tpu.memory_space<hbm>> -> memref<640x64xf32, #tpu.memory_space<hbm>>
      tpu.enqueue_dma source(%dma_start3A_119 : memref<640x64xf32, #tpu.memory_space<hbm>>) target(%dma_start3A_117 : memref<640x64xf32, #tpu.memory_space<vmem_shared>>) target_semaphore(%run_scoped3A_115 : memref<!tpu.dma_semaphore, #tpu.memory_space<semaphore_mem>>)
      %dma_wait3A_120 = arith.constant 0 : i32
      %dma_wait3A_121 = tpu.memref_slice %arg10[%mul3A_61, %dma_wait3A_120] : memref<10240x64xf32, #tpu.memory_space<vmem_shared>> -> memref<640x64xf32, #tpu.memory_space<vmem_shared>>
      %dma_wait3A_122 = arith.constant 0 : i32
      %dma_wait3A_123 = tpu.memref_slice %arg5[%mul3A_59, %dma_wait3A_122] : memref<10240x64xf32, #tpu.memory_space<hbm>> -> memref<640x64xf32, #tpu.memory_space<hbm>>
      tpu.wait_dma2 semaphore(%run_scoped3A_115 : memref<!tpu.dma_semaphore, #tpu.memory_space<semaphore_mem>>) src(%dma_wait3A_123 : memref<640x64xf32, #tpu.memory_space<hbm>>) dst(%dma_wait3A_121 : memref<640x64xf32, #tpu.memory_space<vmem_shared>>)
      tpu.yield
    }) : () -> ()
    %barrier3A_62 = arith.constant 0 : index
    tpu.barrier barrier_id(%barrier3A_62)
    %dma_start3A_63 = arith.constant 1 : i32
    %dma_start3A_64 = arith.constant 0 : i32
    %dma_start3A_65 = arith.constant 0 : i32
    %dma_start3A_66 = arith.constant 0 : i32
    %dma_start3A_67 = arith.constant 0 : i32
    %dma_start3A_68 = tpu.memref_slice %arg9[%dma_start3A_65, %dma_start3A_66, %dma_start3A_67] : memref<2x80x64xf32, #tpu.memory_space<vmem>> -> memref<1x80x64xf32, #tpu.memory_space<vmem>>
    %dma_start3A_69 = tpu.memref_squeeze %dma_start3A_68 : memref<1x80x64xf32, #tpu.memory_space<vmem>> -> memref<80x64xf32, #tpu.memory_space<vmem>>
    %dma_start3A_70 = arith.constant 0 : i32
    %dma_start3A_71 = arith.constant 0 : i32
    %dma_start3A_72 = tpu.memref_slice %arg7[%dma_start3A_63, %dma_start3A_70, %dma_start3A_71] : memref<2x250x80xi32, #tpu.memory_space<vmem>> -> memref<1x250x80xi32, #tpu.memory_space<vmem>>
    %dma_start3A_73 = tpu.memref_squeeze %dma_start3A_72 : memref<1x250x80xi32, #tpu.memory_space<vmem>> -> memref<250x80xi32, #tpu.memory_space<vmem>>
    %dma_start3A_74 = arith.constant 0 : i32
    %dma_start3A_75 = tpu.memref_slice %dma_start3A_73[%dma_start3A_64, %dma_start3A_74] : memref<250x80xi32, #tpu.memory_space<vmem>> -> memref<1x80xi32, #tpu.memory_space<vmem>>
    %dma_start3A_76 = tpu.memref_squeeze %dma_start3A_75 : memref<1x80xi32, #tpu.memory_space<vmem>> -> memref<80xi32, #tpu.memory_space<vmem>>
    %dma_start3A_77 = arith.constant 0 : i32
    %dma_start3A_78 = arith.constant 0 : i32
    %dma_start3A_79 = tpu.memref_slice %arg2[%dma_start3A_77, %dma_start3A_78] : memref<40960x64xf32, #tpu.memory_space<hbm>> -> memref<40960x64xf32, #tpu.memory_space<hbm>>
    tpu.enqueue_indirect_dma source(%dma_start3A_79 : memref<40960x64xf32, #tpu.memory_space<hbm>>) target(%dma_start3A_69 : memref<80x64xf32, #tpu.memory_space<vmem>>) offsets(%dma_start3A_76 : memref<80xi32, #tpu.memory_space<vmem>>) semaphore(%arg11 : memref<!tpu.dma_semaphore, #tpu.memory_space<semaphore_mem>>)
    %dma_wait3A_80 = arith.constant 1 : i32
    %dma_wait3A_81 = arith.constant 0 : i32
    %dma_wait3A_82 = arith.constant 0 : i32
    %dma_wait3A_83 = arith.constant 0 : i32
    %dma_wait3A_84 = arith.constant 0 : i32
    %dma_wait3A_85 = tpu.memref_slice %arg9[%dma_wait3A_82, %dma_wait3A_83, %dma_wait3A_84] : memref<2x80x64xf32, #tpu.memory_space<vmem>> -> memref<1x80x64xf32, #tpu.memory_space<vmem>>
    %dma_wait3A_86 = tpu.memref_squeeze %dma_wait3A_85 : memref<1x80x64xf32, #tpu.memory_space<vmem>> -> memref<80x64xf32, #tpu.memory_space<vmem>>
    %dma_wait3A_87 = arith.constant 0 : i32
    %dma_wait3A_88 = arith.constant 0 : i32
    %dma_wait3A_89 = tpu.memref_slice %arg7[%dma_wait3A_80, %dma_wait3A_87, %dma_wait3A_88] : memref<2x250x80xi32, #tpu.memory_space<vmem>> -> memref<1x250x80xi32, #tpu.memory_space<vmem>>
    %dma_wait3A_90 = tpu.memref_squeeze %dma_wait3A_89 : memref<1x250x80xi32, #tpu.memory_space<vmem>> -> memref<250x80xi32, #tpu.memory_space<vmem>>
    %dma_wait3A_91 = arith.constant 0 : i32
    %dma_wait3A_92 = tpu.memref_slice %dma_wait3A_90[%dma_wait3A_81, %dma_wait3A_91] : memref<250x80xi32, #tpu.memory_space<vmem>> -> memref<1x80xi32, #tpu.memory_space<vmem>>
    %dma_wait3A_93 = tpu.memref_squeeze %dma_wait3A_92 : memref<1x80xi32, #tpu.memory_space<vmem>> -> memref<80xi32, #tpu.memory_space<vmem>>
    %dma_wait3A_94 = arith.constant 0 : i32
    %dma_wait3A_95 = arith.constant 0 : i32
    %dma_wait3A_96 = tpu.memref_slice %arg2[%dma_wait3A_94, %dma_wait3A_95] : memref<40960x64xf32, #tpu.memory_space<hbm>> -> memref<40960x64xf32, #tpu.memory_space<hbm>>
    tpu.wait_indirect_dma semaphore(%arg11 : memref<!tpu.dma_semaphore, #tpu.memory_space<semaphore_mem>>) src(%dma_wait3A_96 : memref<40960x64xf32, #tpu.memory_space<hbm>>) dst(%dma_wait3A_86 : memref<80x64xf32, #tpu.memory_space<vmem>>)
    %scan3A_97 = arith.constant 0 : i32
    %scan3A_98 = arith.constant 1 : i32
    %scan3A_99 = arith.constant 0 : i32
    %scan3A_100 = arith.constant 249 : i32
    %scan3A_101 = arith.addi %scan3A_99, %scan3A_100 : i32
    %scan3A_102 = arith.constant 1 : i32
    scf.for %scan3A_115 = %scan3A_99 to %scan3A_101 step %scan3A_102  : i32 {
      %add3A_116 = arith.constant 1 : i32
      %add3A_117 = arith.addi %scan3A_115, %add3A_116 : i32
      %add3A_118 = arith.constant 1 : i32
      %add3A_119 = arith.addi %scan3A_115, %add3A_118 : i32
      %jit3A = arith.constant 2 : i32
      %eq3A = arith.constant 0 : i32
      %eq3A_120 = arith.cmpi eq, %jit3A, %eq3A : i32
      %jit3A_121 = arith.constant 1 : i32
      %select_n3A = arith.select %eq3A_120, %jit3A_121, %jit3A : i32
      %rem3A = arith.remsi %add3A_119, %select_n3A : i32
      %ne3A = arith.constant 0 : i32
      %ne3A_122 = arith.cmpi ne, %rem3A, %ne3A : i32
      %lt3A = arith.constant 0 : i32
      %lt3A_123 = arith.cmpi slt, %rem3A, %lt3A : i32
      %lt3A_124 = arith.constant 0 : i32
      %lt3A_125 = arith.cmpi slt, %select_n3A, %lt3A_124 : i32
      %ne3A_126 = arith.xori %lt3A_123, %lt3A_125 : i1
      %and3A = arith.andi %ne3A_126, %ne3A_122 : i1
      %add3A_127 = arith.addi %rem3A, %select_n3A : i32
      %select_n3A_128 = arith.select %and3A, %add3A_127, %rem3A : i32
      %dma_start3A_129 = arith.constant 0 : i32
      %dma_start3A_130 = arith.constant 0 : i32
      %dma_start3A_131 = tpu.memref_slice %arg9[%select_n3A_128, %dma_start3A_129, %dma_start3A_130] : memref<2x80x64xf32, #tpu.memory_space<vmem>> -> memref<1x80x64xf32, #tpu.memory_space<vmem>>
      %dma_start3A_132 = tpu.memref_squeeze %dma_start3A_131 : memref<1x80x64xf32, #tpu.memory_space<vmem>> -> memref<80x64xf32, #tpu.memory_space<vmem>>
      %dma_start3A_133 = arith.constant 0 : i32
      %dma_start3A_134 = arith.constant 0 : i32
      %dma_start3A_135 = tpu.memref_slice %arg7[%scan3A_98, %dma_start3A_133, %dma_start3A_134] : memref<2x250x80xi32, #tpu.memory_space<vmem>> -> memref<1x250x80xi32, #tpu.memory_space<vmem>>
      %dma_start3A_136 = tpu.memref_squeeze %dma_start3A_135 : memref<1x250x80xi32, #tpu.memory_space<vmem>> -> memref<250x80xi32, #tpu.memory_space<vmem>>
      %dma_start3A_137 = arith.constant 0 : i32
      %dma_start3A_138 = tpu.memref_slice %dma_start3A_136[%add3A_117, %dma_start3A_137] : memref<250x80xi32, #tpu.memory_space<vmem>> -> memref<1x80xi32, #tpu.memory_space<vmem>>
      %dma_start3A_139 = tpu.memref_squeeze %dma_start3A_138 : memref<1x80xi32, #tpu.memory_space<vmem>> -> memref<80xi32, #tpu.memory_space<vmem>>
      %dma_start3A_140 = arith.constant 0 : i32
      %dma_start3A_141 = arith.constant 0 : i32
      %dma_start3A_142 = tpu.memref_slice %arg2[%dma_start3A_140, %dma_start3A_141] : memref<40960x64xf32, #tpu.memory_space<hbm>> -> memref<40960x64xf32, #tpu.memory_space<hbm>>
      tpu.enqueue_indirect_dma source(%dma_start3A_142 : memref<40960x64xf32, #tpu.memory_space<hbm>>) target(%dma_start3A_132 : memref<80x64xf32, #tpu.memory_space<vmem>>) offsets(%dma_start3A_139 : memref<80xi32, #tpu.memory_space<vmem>>) semaphore(%arg11 : memref<!tpu.dma_semaphore, #tpu.memory_space<semaphore_mem>>)
      %jit3A_143 = arith.constant 2 : i32
      %eq3A_144 = arith.constant 0 : i32
      %eq3A_145 = arith.cmpi eq, %jit3A_143, %eq3A_144 : i32
      %jit3A_146 = arith.constant 1 : i32
      %select_n3A_147 = arith.select %eq3A_145, %jit3A_146, %jit3A_143 : i32
      %rem3A_148 = arith.remsi %scan3A_115, %select_n3A_147 : i32
      %ne3A_149 = arith.constant 0 : i32
      %ne3A_150 = arith.cmpi ne, %rem3A_148, %ne3A_149 : i32
      %lt3A_151 = arith.constant 0 : i32
      %lt3A_152 = arith.cmpi slt, %rem3A_148, %lt3A_151 : i32
      %lt3A_153 = arith.constant 0 : i32
      %lt3A_154 = arith.cmpi slt, %select_n3A_147, %lt3A_153 : i32
      %ne3A_155 = arith.xori %lt3A_152, %lt3A_154 : i1
      %and3A_156 = arith.andi %ne3A_155, %ne3A_150 : i1
      %add3A_157 = arith.addi %rem3A_148, %select_n3A_147 : i32
      %select_n3A_158 = arith.select %and3A_156, %add3A_157, %rem3A_148 : i32
      "tpu.region"() ({
        %run_scoped3A_173 = tpu.sem_alloc : memref<!tpu.dma_semaphore, #tpu.memory_space<semaphore_mem>>
        %dma_start3A_174 = arith.constant 0 : i32
        %dma_start3A_175 = arith.constant 0 : i32
        %dma_start3A_176 = tpu.memref_slice %arg9[%select_n3A_158, %dma_start3A_174, %dma_start3A_175] : memref<2x80x64xf32, #tpu.memory_space<vmem>> -> memref<1x80x64xf32, #tpu.memory_space<vmem>>
        %dma_start3A_177 = tpu.memref_squeeze %dma_start3A_176 : memref<1x80x64xf32, #tpu.memory_space<vmem>> -> memref<80x64xf32, #tpu.memory_space<vmem>>
        %dma_start3A_178 = arith.constant 0 : i32
        %dma_start3A_179 = tpu.memref_slice %arg8[%scan3A_115, %dma_start3A_178] : memref<250x80xi32, #tpu.memory_space<vmem>> -> memref<1x80xi32, #tpu.memory_space<vmem>>
        %dma_start3A_180 = tpu.memref_squeeze %dma_start3A_179 : memref<1x80xi32, #tpu.memory_space<vmem>> -> memref<80xi32, #tpu.memory_space<vmem>>
        %dma_start3A_181 = arith.constant 0 : i32
        %dma_start3A_182 = arith.constant 0 : i32
        %dma_start3A_183 = tpu.memref_slice %arg10[%dma_start3A_181, %dma_start3A_182] : memref<10240x64xf32, #tpu.memory_space<vmem_shared>> -> memref<10240x64xf32, #tpu.memory_space<vmem_shared>>
        tpu.enqueue_indirect_dma source(%dma_start3A_177 : memref<80x64xf32, #tpu.memory_space<vmem>>) target(%dma_start3A_183 : memref<10240x64xf32, #tpu.memory_space<vmem_shared>>) offsets(%dma_start3A_180 : memref<80xi32, #tpu.memory_space<vmem>>) semaphore(%run_scoped3A_173 : memref<!tpu.dma_semaphore, #tpu.memory_space<semaphore_mem>>) {add = true}
        %dma_wait3A_184 = arith.constant 0 : i32
        %dma_wait3A_185 = arith.constant 0 : i32
        %dma_wait3A_186 = tpu.memref_slice %arg9[%select_n3A_158, %dma_wait3A_184, %dma_wait3A_185] : memref<2x80x64xf32, #tpu.memory_space<vmem>> -> memref<1x80x64xf32, #tpu.memory_space<vmem>>
        %dma_wait3A_187 = tpu.memref_squeeze %dma_wait3A_186 : memref<1x80x64xf32, #tpu.memory_space<vmem>> -> memref<80x64xf32, #tpu.memory_space<vmem>>
        %dma_wait3A_188 = arith.constant 0 : i32
        %dma_wait3A_189 = tpu.memref_slice %arg8[%scan3A_115, %dma_wait3A_188] : memref<250x80xi32, #tpu.memory_space<vmem>> -> memref<1x80xi32, #tpu.memory_space<vmem>>
        %dma_wait3A_190 = tpu.memref_squeeze %dma_wait3A_189 : memref<1x80xi32, #tpu.memory_space<vmem>> -> memref<80xi32, #tpu.memory_space<vmem>>
        %dma_wait3A_191 = arith.constant 0 : i32
        %dma_wait3A_192 = arith.constant 0 : i32
        %dma_wait3A_193 = tpu.memref_slice %arg10[%dma_wait3A_191, %dma_wait3A_192] : memref<10240x64xf32, #tpu.memory_space<vmem_shared>> -> memref<10240x64xf32, #tpu.memory_space<vmem_shared>>
        tpu.wait_indirect_dma semaphore(%run_scoped3A_173 : memref<!tpu.dma_semaphore, #tpu.memory_space<semaphore_mem>>) src(%dma_wait3A_187 : memref<80x64xf32, #tpu.memory_space<vmem>>) dst(%dma_wait3A_193 : memref<10240x64xf32, #tpu.memory_space<vmem_shared>>)
        tpu.yield
      }) : () -> ()
      %dma_wait3A_159 = arith.constant 0 : i32
      %dma_wait3A_160 = arith.constant 0 : i32
      %dma_wait3A_161 = tpu.memref_slice %arg9[%select_n3A_128, %dma_wait3A_159, %dma_wait3A_160] : memref<2x80x64xf32, #tpu.memory_space<vmem>> -> memref<1x80x64xf32, #tpu.memory_space<vmem>>
      %dma_wait3A_162 = tpu.memref_squeeze %dma_wait3A_161 : memref<1x80x64xf32, #tpu.memory_space<vmem>> -> memref<80x64xf32, #tpu.memory_space<vmem>>
      %dma_wait3A_163 = arith.constant 0 : i32
      %dma_wait3A_164 = arith.constant 0 : i32
      %dma_wait3A_165 = tpu.memref_slice %arg7[%scan3A_98, %dma_wait3A_163, %dma_wait3A_164] : memref<2x250x80xi32, #tpu.memory_space<vmem>> -> memref<1x250x80xi32, #tpu.memory_space<vmem>>
      %dma_wait3A_166 = tpu.memref_squeeze %dma_wait3A_165 : memref<1x250x80xi32, #tpu.memory_space<vmem>> -> memref<250x80xi32, #tpu.memory_space<vmem>>
      %dma_wait3A_167 = arith.constant 0 : i32
      %dma_wait3A_168 = tpu.memref_slice %dma_wait3A_166[%add3A_117, %dma_wait3A_167] : memref<250x80xi32, #tpu.memory_space<vmem>> -> memref<1x80xi32, #tpu.memory_space<vmem>>
      %dma_wait3A_169 = tpu.memref_squeeze %dma_wait3A_168 : memref<1x80xi32, #tpu.memory_space<vmem>> -> memref<80xi32, #tpu.memory_space<vmem>>
      %dma_wait3A_170 = arith.constant 0 : i32
      %dma_wait3A_171 = arith.constant 0 : i32
      %dma_wait3A_172 = tpu.memref_slice %arg2[%dma_wait3A_170, %dma_wait3A_171] : memref<40960x64xf32, #tpu.memory_space<hbm>> -> memref<40960x64xf32, #tpu.memory_space<hbm>>
      tpu.wait_indirect_dma semaphore(%arg11 : memref<!tpu.dma_semaphore, #tpu.memory_space<semaphore_mem>>) src(%dma_wait3A_172 : memref<40960x64xf32, #tpu.memory_space<hbm>>) dst(%dma_wait3A_162 : memref<80x64xf32, #tpu.memory_space<vmem>>)
    }
    %scan3A_103 = arith.constant 249 : i32
    %run_scoped3A_104 = arith.constant 1 : i32
    %run_scoped3A_105 = arith.constant 249 : i32
    "tpu.region"() ({
      %run_scoped3A_115 = tpu.sem_alloc : memref<!tpu.dma_semaphore, #tpu.memory_space<semaphore_mem>>
      %dma_start3A_116 = arith.constant 0 : i32
      %dma_start3A_117 = arith.constant 0 : i32
      %dma_start3A_118 = tpu.memref_slice %arg9[%run_scoped3A_104, %dma_start3A_116, %dma_start3A_117] : memref<2x80x64xf32, #tpu.memory_space<vmem>> -> memref<1x80x64xf32, #tpu.memory_space<vmem>>
      %dma_start3A_119 = tpu.memref_squeeze %dma_start3A_118 : memref<1x80x64xf32, #tpu.memory_space<vmem>> -> memref<80x64xf32, #tpu.memory_space<vmem>>
      %dma_start3A_120 = arith.constant 0 : i32
      %dma_start3A_121 = tpu.memref_slice %arg8[%run_scoped3A_105, %dma_start3A_120] : memref<250x80xi32, #tpu.memory_space<vmem>> -> memref<1x80xi32, #tpu.memory_space<vmem>>
      %dma_start3A_122 = tpu.memref_squeeze %dma_start3A_121 : memref<1x80xi32, #tpu.memory_space<vmem>> -> memref<80xi32, #tpu.memory_space<vmem>>
      %dma_start3A_123 = arith.constant 0 : i32
      %dma_start3A_124 = arith.constant 0 : i32
      %dma_start3A_125 = tpu.memref_slice %arg10[%dma_start3A_123, %dma_start3A_124] : memref<10240x64xf32, #tpu.memory_space<vmem_shared>> -> memref<10240x64xf32, #tpu.memory_space<vmem_shared>>
      tpu.enqueue_indirect_dma source(%dma_start3A_119 : memref<80x64xf32, #tpu.memory_space<vmem>>) target(%dma_start3A_125 : memref<10240x64xf32, #tpu.memory_space<vmem_shared>>) offsets(%dma_start3A_122 : memref<80xi32, #tpu.memory_space<vmem>>) semaphore(%run_scoped3A_115 : memref<!tpu.dma_semaphore, #tpu.memory_space<semaphore_mem>>) {add = true}
      %dma_wait3A_126 = arith.constant 0 : i32
      %dma_wait3A_127 = arith.constant 0 : i32
      %dma_wait3A_128 = tpu.memref_slice %arg9[%run_scoped3A_104, %dma_wait3A_126, %dma_wait3A_127] : memref<2x80x64xf32, #tpu.memory_space<vmem>> -> memref<1x80x64xf32, #tpu.memory_space<vmem>>
      %dma_wait3A_129 = tpu.memref_squeeze %dma_wait3A_128 : memref<1x80x64xf32, #tpu.memory_space<vmem>> -> memref<80x64xf32, #tpu.memory_space<vmem>>
      %dma_wait3A_130 = arith.constant 0 : i32
      %dma_wait3A_131 = tpu.memref_slice %arg8[%run_scoped3A_105, %dma_wait3A_130] : memref<250x80xi32, #tpu.memory_space<vmem>> -> memref<1x80xi32, #tpu.memory_space<vmem>>
      %dma_wait3A_132 = tpu.memref_squeeze %dma_wait3A_131 : memref<1x80xi32, #tpu.memory_space<vmem>> -> memref<80xi32, #tpu.memory_space<vmem>>
      %dma_wait3A_133 = arith.constant 0 : i32
      %dma_wait3A_134 = arith.constant 0 : i32
      %dma_wait3A_135 = tpu.memref_slice %arg10[%dma_wait3A_133, %dma_wait3A_134] : memref<10240x64xf32, #tpu.memory_space<vmem_shared>> -> memref<10240x64xf32, #tpu.memory_space<vmem_shared>>
      tpu.wait_indirect_dma semaphore(%run_scoped3A_115 : memref<!tpu.dma_semaphore, #tpu.memory_space<semaphore_mem>>) src(%dma_wait3A_129 : memref<80x64xf32, #tpu.memory_space<vmem>>) dst(%dma_wait3A_135 : memref<10240x64xf32, #tpu.memory_space<vmem_shared>>)
      tpu.yield
    }) : () -> ()
    %barrier3A_106 = arith.constant 0 : index
    tpu.barrier barrier_id(%barrier3A_106)
    %mul3A_107 = arith.constant 640 : i32
    %mul3A_108 = arith.muli %arg1, %mul3A_107 : i32
    %mul3A_109 = arith.constant 2 : i32
    %mul3A_110 = arith.muli %arg0, %mul3A_109 : i32
    %add3A_111 = arith.constant 1 : i32
    %add3A_112 = arith.addi %mul3A_110, %add3A_111 : i32
    %mul3A_113 = arith.constant 640 : i32
    %mul3A_114 = arith.muli %arg1, %mul3A_113 : i32
    "tpu.region"() ({
      %run_scoped3A_115 = tpu.sem_alloc : memref<!tpu.dma_semaphore, #tpu.memory_space<semaphore_mem>>
      %dma_start3A_116 = arith.constant 0 : i32
      %dma_start3A_117 = tpu.memref_slice %arg6[%add3A_112, %mul3A_114, %dma_start3A_116] : memref<4x10240x64xf32, #tpu.memory_space<hbm>> -> memref<1x640x64xf32, #tpu.memory_space<hbm>>
      %dma_start3A_118 = tpu.memref_squeeze %dma_start3A_117 : memref<1x640x64xf32, #tpu.memory_space<hbm>> -> memref<640x64xf32, #tpu.memory_space<hbm>>
      %dma_start3A_119 = arith.constant 0 : i32
      %dma_start3A_120 = tpu.memref_slice %arg10[%mul3A_108, %dma_start3A_119] : memref<10240x64xf32, #tpu.memory_space<vmem_shared>> -> memref<640x64xf32, #tpu.memory_space<vmem_shared>>
      tpu.enqueue_dma source(%dma_start3A_120 : memref<640x64xf32, #tpu.memory_space<vmem_shared>>) target(%dma_start3A_118 : memref<640x64xf32, #tpu.memory_space<hbm>>) target_semaphore(%run_scoped3A_115 : memref<!tpu.dma_semaphore, #tpu.memory_space<semaphore_mem>>)
      %dma_wait3A_121 = arith.constant 0 : i32
      %dma_wait3A_122 = tpu.memref_slice %arg6[%add3A_112, %mul3A_114, %dma_wait3A_121] : memref<4x10240x64xf32, #tpu.memory_space<hbm>> -> memref<1x640x64xf32, #tpu.memory_space<hbm>>
      %dma_wait3A_123 = tpu.memref_squeeze %dma_wait3A_122 : memref<1x640x64xf32, #tpu.memory_space<hbm>> -> memref<640x64xf32, #tpu.memory_space<hbm>>
      %dma_wait3A_124 = arith.constant 0 : i32
      %dma_wait3A_125 = tpu.memref_slice %arg10[%mul3A_108, %dma_wait3A_124] : memref<10240x64xf32, #tpu.memory_space<vmem_shared>> -> memref<640x64xf32, #tpu.memory_space<vmem_shared>>
      tpu.wait_dma2 semaphore(%run_scoped3A_115 : memref<!tpu.dma_semaphore, #tpu.memory_space<semaphore_mem>>) src(%dma_wait3A_125 : memref<640x64xf32, #tpu.memory_space<vmem_shared>>) dst(%dma_wait3A_123 : memref<640x64xf32, #tpu.memory_space<hbm>>)
      tpu.yield
    }) : () -> ()
    return
  }
}

#map = affine_map<(d0, d1) -> (0, 0)>
#map1 = affine_map<(d0, d1) -> (0, 0, 0, 0)>
#map2 = affine_map<(d0, d1) -> (0, 0, 0)>
module attributes {stable_mosaic.version = 14 : i64} {
  func.func @_spmm_kernel(%arg0: i32, %arg1: i32, %arg2: memref<40960x64xf32, #tpu.memory_space<hbm>>, %arg3: memref<4x16x250x80xi32, #tpu.memory_space<hbm>>, %arg4: memref<16x250x80xi32, #tpu.memory_space<hbm>>, %arg5: memref<10240x64xf32, #tpu.memory_space<hbm>>, %arg6: memref<4x10240x64xf32, #tpu.memory_space<hbm>>, %arg7: memref<2x250x80xi32, #tpu.memory_space<vmem>>, %arg8: memref<250x80xi32, #tpu.memory_space<vmem>>, %arg9: memref<2x80x64xf32, #tpu.memory_space<vmem>>, %arg10: memref<10240x64xf32, #tpu.memory_space<vmem_shared>>, %arg11: memref<!tpu.dma_semaphore, #tpu.memory_space<semaphore_mem>>) attributes {dimension_semantics = [#tpu.dimension_semantics<core_parallel>, #tpu.dimension_semantics<subcore_parallel>], iteration_bounds = array<i64: 2, 16>, scalar_prefetch = 0 : i64, scratch_operands = 5 : i64, tpu.core_type = #tpu.core_type<sc_vector_subcore>, window_params = [{transform_indices = #map}, {transform_indices = #map1}, {transform_indices = #map2}, {transform_indices = #map}, {transform_indices = #map2}]} {
    %mul3A = arith.constant 2 : i32
    %mul3A_0 = arith.muli %arg0, %mul3A : i32
    %run_scoped3A = arith.constant 0 : i32
    "tpu.region"() ({
      %run_scoped3A_115 = tpu.sem_alloc : memref<!tpu.dma_semaphore, #tpu.memory_space<semaphore_mem>>
      %dma_start3A_116 = arith.constant 0 : i32
      %dma_start3A_117 = arith.constant 0 : i32
      %dma_start3A_118 = tpu.memref_slice %arg7[%run_scoped3A, %dma_start3A_116, %dma_start3A_117] : memref<2x250x80xi32, #tpu.memory_space<vmem>> -> memref<1x250x80xi32, #tpu.memory_space<vmem>>
      %dma_start3A_119 = tpu.memref_squeeze %dma_start3A_118 : memref<1x250x80xi32, #tpu.memory_space<vmem>> -> memref<250x80xi32, #tpu.memory_space<vmem>>
      %dma_start3A_120 = arith.constant 0 : i32
      %dma_start3A_121 = arith.constant 0 : i32
      %dma_start3A_122 = tpu.memref_slice %arg3[%mul3A_0, %arg1, %dma_start3A_120, %dma_start3A_121] : memref<4x16x250x80xi32, #tpu.memory_space<hbm>> -> memref<1x1x250x80xi32, #tpu.memory_space<hbm>>
      %dma_start3A_123 = tpu.memref_squeeze %dma_start3A_122 : memref<1x1x250x80xi32, #tpu.memory_space<hbm>> -> memref<250x80xi32, #tpu.memory_space<hbm>>
      %dma_start3A_124 = arith.constant 0 : i32
      %dma_start3A_125 = arith.constant 0 : i32
      %dma_start3A_126 = tpu.memref_slice %arg7[%run_scoped3A, %dma_start3A_124, %dma_start3A_125] : memref<2x250x80xi32, #tpu.memory_space<vmem>> -> memref<1x250x80xi32, #tpu.memory_space<vmem>>
      %dma_start3A_127 = tpu.memref_squeeze %dma_start3A_126 : memref<1x250x80xi32, #tpu.memory_space<vmem>> -> memref<250x80xi32, #tpu.memory_space<vmem>>
      %dma_start3A_128 = arith.constant 0 : i32
      %dma_start3A_129 = arith.constant 0 : i32
      %dma_start3A_130 = tpu.memref_slice %arg3[%mul3A_0, %arg1, %dma_start3A_128, %dma_start3A_129] : memref<4x16x250x80xi32, #tpu.memory_space<hbm>> -> memref<1x1x250x80xi32, #tpu.memory_space<hbm>>
      %dma_start3A_131 = tpu.memref_squeeze %dma_start3A_130 : memref<1x1x250x80xi32, #tpu.memory_space<hbm>> -> memref<250x80xi32, #tpu.memory_space<hbm>>
      tpu.enqueue_dma source(%dma_start3A_131 : memref<250x80xi32, #tpu.memory_space<hbm>>) target(%dma_start3A_127 : memref<250x80xi32, #tpu.memory_space<vmem>>) target_semaphore(%run_scoped3A_115 : memref<!tpu.dma_semaphore, #tpu.memory_space<semaphore_mem>>)
      %dma_wait3A_132 = arith.constant 0 : i32
      %dma_wait3A_133 = arith.constant 0 : i32
      %dma_wait3A_134 = tpu.memref_slice %arg7[%run_scoped3A, %dma_wait3A_132, %dma_wait3A_133] : memref<2x250x80xi32, #tpu.memory_space<vmem>> -> memref<1x250x80xi32, #tpu.memory_space<vmem>>
      %dma_wait3A_135 = tpu.memref_squeeze %dma_wait3A_134 : memref<1x250x80xi32, #tpu.memory_space<vmem>> -> memref<250x80xi32, #tpu.memory_space<vmem>>
      %dma_wait3A_136 = arith.constant 0 : i32
      %dma_wait3A_137 = arith.constant 0 : i32
      %dma_wait3A_138 = tpu.memref_slice %arg3[%mul3A_0, %arg1, %dma_wait3A_136, %dma_wait3A_137] : memref<4x16x250x80xi32, #tpu.memory_space<hbm>> -> memref<1x1x250x80xi32, #tpu.memory_space<hbm>>
      %dma_wait3A_139 = tpu.memref_squeeze %dma_wait3A_138 : memref<1x1x250x80xi32, #tpu.memory_space<hbm>> -> memref<250x80xi32, #tpu.memory_space<hbm>>
      %dma_wait3A_140 = arith.constant 0 : i32
      %dma_wait3A_141 = arith.constant 0 : i32
      %dma_wait3A_142 = tpu.memref_slice %arg7[%run_scoped3A, %dma_wait3A_140, %dma_wait3A_141] : memref<2x250x80xi32, #tpu.memory_space<vmem>> -> memref<1x250x80xi32, #tpu.memory_space<vmem>>
      %dma_wait3A_143 = tpu.memref_squeeze %dma_wait3A_142 : memref<1x250x80xi32, #tpu.memory_space<vmem>> -> memref<250x80xi32, #tpu.memory_space<vmem>>
      %dma_wait3A_144 = arith.constant 0 : i32
      %dma_wait3A_145 = arith.constant 0 : i32
      %dma_wait3A_146 = tpu.memref_slice %arg3[%mul3A_0, %arg1, %dma_wait3A_144, %dma_wait3A_145] : memref<4x16x250x80xi32, #tpu.memory_space<hbm>> -> memref<1x1x250x80xi32, #tpu.memory_space<hbm>>
      %dma_wait3A_147 = tpu.memref_squeeze %dma_wait3A_146 : memref<1x1x250x80xi32, #tpu.memory_space<hbm>> -> memref<250x80xi32, #tpu.memory_space<hbm>>
      tpu.wait_dma2 semaphore(%run_scoped3A_115 : memref<!tpu.dma_semaphore, #tpu.memory_space<semaphore_mem>>) src(%dma_wait3A_147 : memref<250x80xi32, #tpu.memory_space<hbm>>) dst(%dma_wait3A_143 : memref<250x80xi32, #tpu.memory_space<vmem>>)
      tpu.yield
    }) : () -> ()
    %mul3A_1 = arith.constant 2 : i32
    %mul3A_2 = arith.muli %arg0, %mul3A_1 : i32
    %add3A = arith.constant 1 : i32
    %add3A_3 = arith.addi %mul3A_2, %add3A : i32
    %run_scoped3A_4 = arith.constant 1 : i32
    "tpu.region"() ({
      %run_scoped3A_115 = tpu.sem_alloc : memref<!tpu.dma_semaphore, #tpu.memory_space<semaphore_mem>>
      %dma_start3A_116 = arith.constant 0 : i32
      %dma_start3A_117 = arith.constant 0 : i32
      %dma_start3A_118 = tpu.memref_slice %arg7[%run_scoped3A_4, %dma_start3A_116, %dma_start3A_117] : memref<2x250x80xi32, #tpu.memory_space<vmem>> -> memref<1x250x80xi32, #tpu.memory_space<vmem>>
      %dma_start3A_119 = tpu.memref_squeeze %dma_start3A_118 : memref<1x250x80xi32, #tpu.memory_space<vmem>> -> memref<250x80xi32, #tpu.memory_space<vmem>>
      %dma_start3A_120 = arith.constant 0 : i32
      %dma_start3A_121 = arith.constant 0 : i32
      %dma_start3A_122 = tpu.memref_slice %arg3[%add3A_3, %arg1, %dma_start3A_120, %dma_start3A_121] : memref<4x16x250x80xi32, #tpu.memory_space<hbm>> -> memref<1x1x250x80xi32, #tpu.memory_space<hbm>>
      %dma_start3A_123 = tpu.memref_squeeze %dma_start3A_122 : memref<1x1x250x80xi32, #tpu.memory_space<hbm>> -> memref<250x80xi32, #tpu.memory_space<hbm>>
      %dma_start3A_124 = arith.constant 0 : i32
      %dma_start3A_125 = arith.constant 0 : i32
      %dma_start3A_126 = tpu.memref_slice %arg7[%run_scoped3A_4, %dma_start3A_124, %dma_start3A_125] : memref<2x250x80xi32, #tpu.memory_space<vmem>> -> memref<1x250x80xi32, #tpu.memory_space<vmem>>
      %dma_start3A_127 = tpu.memref_squeeze %dma_start3A_126 : memref<1x250x80xi32, #tpu.memory_space<vmem>> -> memref<250x80xi32, #tpu.memory_space<vmem>>
      %dma_start3A_128 = arith.constant 0 : i32
      %dma_start3A_129 = arith.constant 0 : i32
      %dma_start3A_130 = tpu.memref_slice %arg3[%add3A_3, %arg1, %dma_start3A_128, %dma_start3A_129] : memref<4x16x250x80xi32, #tpu.memory_space<hbm>> -> memref<1x1x250x80xi32, #tpu.memory_space<hbm>>
      %dma_start3A_131 = tpu.memref_squeeze %dma_start3A_130 : memref<1x1x250x80xi32, #tpu.memory_space<hbm>> -> memref<250x80xi32, #tpu.memory_space<hbm>>
      tpu.enqueue_dma source(%dma_start3A_131 : memref<250x80xi32, #tpu.memory_space<hbm>>) target(%dma_start3A_127 : memref<250x80xi32, #tpu.memory_space<vmem>>) target_semaphore(%run_scoped3A_115 : memref<!tpu.dma_semaphore, #tpu.memory_space<semaphore_mem>>)
      %dma_wait3A_132 = arith.constant 0 : i32
      %dma_wait3A_133 = arith.constant 0 : i32
      %dma_wait3A_134 = tpu.memref_slice %arg7[%run_scoped3A_4, %dma_wait3A_132, %dma_wait3A_133] : memref<2x250x80xi32, #tpu.memory_space<vmem>> -> memref<1x250x80xi32, #tpu.memory_space<vmem>>
      %dma_wait3A_135 = tpu.memref_squeeze %dma_wait3A_134 : memref<1x250x80xi32, #tpu.memory_space<vmem>> -> memref<250x80xi32, #tpu.memory_space<vmem>>
      %dma_wait3A_136 = arith.constant 0 : i32
      %dma_wait3A_137 = arith.constant 0 : i32
      %dma_wait3A_138 = tpu.memref_slice %arg3[%add3A_3, %arg1, %dma_wait3A_136, %dma_wait3A_137] : memref<4x16x250x80xi32, #tpu.memory_space<hbm>> -> memref<1x1x250x80xi32, #tpu.memory_space<hbm>>
      %dma_wait3A_139 = tpu.memref_squeeze %dma_wait3A_138 : memref<1x1x250x80xi32, #tpu.memory_space<hbm>> -> memref<250x80xi32, #tpu.memory_space<hbm>>
      %dma_wait3A_140 = arith.constant 0 : i32
      %dma_wait3A_141 = arith.constant 0 : i32
      %dma_wait3A_142 = tpu.memref_slice %arg7[%run_scoped3A_4, %dma_wait3A_140, %dma_wait3A_141] : memref<2x250x80xi32, #tpu.memory_space<vmem>> -> memref<1x250x80xi32, #tpu.memory_space<vmem>>
      %dma_wait3A_143 = tpu.memref_squeeze %dma_wait3A_142 : memref<1x250x80xi32, #tpu.memory_space<vmem>> -> memref<250x80xi32, #tpu.memory_space<vmem>>
      %dma_wait3A_144 = arith.constant 0 : i32
      %dma_wait3A_145 = arith.constant 0 : i32
      %dma_wait3A_146 = tpu.memref_slice %arg3[%add3A_3, %arg1, %dma_wait3A_144, %dma_wait3A_145] : memref<4x16x250x80xi32, #tpu.memory_space<hbm>> -> memref<1x1x250x80xi32, #tpu.memory_space<hbm>>
      %dma_wait3A_147 = tpu.memref_squeeze %dma_wait3A_146 : memref<1x1x250x80xi32, #tpu.memory_space<hbm>> -> memref<250x80xi32, #tpu.memory_space<hbm>>
      tpu.wait_dma2 semaphore(%run_scoped3A_115 : memref<!tpu.dma_semaphore, #tpu.memory_space<semaphore_mem>>) src(%dma_wait3A_147 : memref<250x80xi32, #tpu.memory_space<hbm>>) dst(%dma_wait3A_143 : memref<250x80xi32, #tpu.memory_space<vmem>>)
      tpu.yield
    }) : () -> ()
    "tpu.region"() ({
      %run_scoped3A_115 = tpu.sem_alloc : memref<!tpu.dma_semaphore, #tpu.memory_space<semaphore_mem>>
      %dma_start3A_116 = arith.constant 0 : i32
      %dma_start3A_117 = arith.constant 0 : i32
      %dma_start3A_118 = tpu.memref_slice %arg4[%arg1, %dma_start3A_116, %dma_start3A_117] : memref<16x250x80xi32, #tpu.memory_space<hbm>> -> memref<1x250x80xi32, #tpu.memory_space<hbm>>
      %dma_start3A_119 = tpu.memref_squeeze %dma_start3A_118 : memref<1x250x80xi32, #tpu.memory_space<hbm>> -> memref<250x80xi32, #tpu.memory_space<hbm>>
      %dma_start3A_120 = arith.constant 0 : i32
      %dma_start3A_121 = arith.constant 0 : i32
      %dma_start3A_122 = tpu.memref_slice %arg4[%arg1, %dma_start3A_120, %dma_start3A_121] : memref<16x250x80xi32, #tpu.memory_space<hbm>> -> memref<1x250x80xi32, #tpu.memory_space<hbm>>
      %dma_start3A_123 = tpu.memref_squeeze %dma_start3A_122 : memref<1x250x80xi32, #tpu.memory_space<hbm>> -> memref<250x80xi32, #tpu.memory_space<hbm>>
      tpu.enqueue_dma source(%dma_start3A_123 : memref<250x80xi32, #tpu.memory_space<hbm>>) target(%arg8 : memref<250x80xi32, #tpu.memory_space<vmem>>) target_semaphore(%run_scoped3A_115 : memref<!tpu.dma_semaphore, #tpu.memory_space<semaphore_mem>>)
      %dma_wait3A_124 = arith.constant 0 : i32
      %dma_wait3A_125 = arith.constant 0 : i32
      %dma_wait3A_126 = tpu.memref_slice %arg4[%arg1, %dma_wait3A_124, %dma_wait3A_125] : memref<16x250x80xi32, #tpu.memory_space<hbm>> -> memref<1x250x80xi32, #tpu.memory_space<hbm>>
      %dma_wait3A_127 = tpu.memref_squeeze %dma_wait3A_126 : memref<1x250x80xi32, #tpu.memory_space<hbm>> -> memref<250x80xi32, #tpu.memory_space<hbm>>
      %dma_wait3A_128 = arith.constant 0 : i32
      %dma_wait3A_129 = arith.constant 0 : i32
      %dma_wait3A_130 = tpu.memref_slice %arg4[%arg1, %dma_wait3A_128, %dma_wait3A_129] : memref<16x250x80xi32, #tpu.memory_space<hbm>> -> memref<1x250x80xi32, #tpu.memory_space<hbm>>
      %dma_wait3A_131 = tpu.memref_squeeze %dma_wait3A_130 : memref<1x250x80xi32, #tpu.memory_space<hbm>> -> memref<250x80xi32, #tpu.memory_space<hbm>>
      tpu.wait_dma2 semaphore(%run_scoped3A_115 : memref<!tpu.dma_semaphore, #tpu.memory_space<semaphore_mem>>) src(%dma_wait3A_131 : memref<250x80xi32, #tpu.memory_space<hbm>>) dst(%arg8 : memref<250x80xi32, #tpu.memory_space<vmem>>)
      tpu.yield
    }) : () -> ()
    %mul3A_5 = arith.constant 640 : i32
    %mul3A_6 = arith.muli %arg1, %mul3A_5 : i32
    %mul3A_7 = arith.constant 640 : i32
    %mul3A_8 = arith.muli %arg1, %mul3A_7 : i32
    "tpu.region"() ({
      %run_scoped3A_115 = tpu.sem_alloc : memref<!tpu.dma_semaphore, #tpu.memory_space<semaphore_mem>>
      %dma_start3A_116 = arith.constant 0 : i32
      %dma_start3A_117 = tpu.memref_slice %arg10[%mul3A_8, %dma_start3A_116] : memref<10240x64xf32, #tpu.memory_space<vmem_shared>> -> memref<640x64xf32, #tpu.memory_space<vmem_shared>>
      %dma_start3A_118 = arith.constant 0 : i32
      %dma_start3A_119 = tpu.memref_slice %arg5[%mul3A_6, %dma_start3A_118] : memref<10240x64xf32, #tpu.memory_space<hbm>> -> memref<640x64xf32, #tpu.memory_space<hbm>>
      tpu.enqueue_dma source(%dma_start3A_119 : memref<640x64xf32, #tpu.memory_space<hbm>>) target(%dma_start3A_117 : memref<640x64xf32, #tpu.memory_space<vmem_shared>>) target_semaphore(%run_scoped3A_115 : memref<!tpu.dma_semaphore, #tpu.memory_space<semaphore_mem>>)
      %dma_wait3A_120 = arith.constant 0 : i32
      %dma_wait3A_121 = tpu.memref_slice %arg10[%mul3A_8, %dma_wait3A_120] : memref<10240x64xf32, #tpu.memory_space<vmem_shared>> -> memref<640x64xf32, #tpu.memory_space<vmem_shared>>
      %dma_wait3A_122 = arith.constant 0 : i32
      %dma_wait3A_123 = tpu.memref_slice %arg5[%mul3A_6, %dma_wait3A_122] : memref<10240x64xf32, #tpu.memory_space<hbm>> -> memref<640x64xf32, #tpu.memory_space<hbm>>
      tpu.wait_dma2 semaphore(%run_scoped3A_115 : memref<!tpu.dma_semaphore, #tpu.memory_space<semaphore_mem>>) src(%dma_wait3A_123 : memref<640x64xf32, #tpu.memory_space<hbm>>) dst(%dma_wait3A_121 : memref<640x64xf32, #tpu.memory_space<vmem_shared>>)
      tpu.yield
    }) : () -> ()
    %barrier3A = arith.constant 0 : index
    tpu.barrier barrier_id(%barrier3A)
    %dma_start3A = arith.constant 0 : i32
    %dma_start3A_9 = arith.constant 0 : i32
    %dma_start3A_10 = arith.constant 0 : i32
    %dma_start3A_11 = arith.constant 0 : i32
    %dma_start3A_12 = arith.constant 0 : i32
    %dma_start3A_13 = tpu.memref_slice %arg9[%dma_start3A_10, %dma_start3A_11, %dma_start3A_12] : memref<2x80x64xf32, #tpu.memory_space<vmem>> -> memref<1x80x64xf32, #tpu.memory_space<vmem>>
    %dma_start3A_14 = tpu.memref_squeeze %dma_start3A_13 : memref<1x80x64xf32, #tpu.memory_space<vmem>> -> memref<80x64xf32, #tpu.memory_space<vmem>>
    %dma_start3A_15 = arith.constant 0 : i32
    %dma_start3A_16 = arith.constant 0 : i32
    %dma_start3A_17 = tpu.memref_slice %arg7[%dma_start3A, %dma_start3A_15, %dma_start3A_16] : memref<2x250x80xi32, #tpu.memory_space<vmem>> -> memref<1x250x80xi32, #tpu.memory_space<vmem>>
    %dma_start3A_18 = tpu.memref_squeeze %dma_start3A_17 : memref<1x250x80xi32, #tpu.memory_space<vmem>> -> memref<250x80xi32, #tpu.memory_space<vmem>>
    %dma_start3A_19 = arith.constant 0 : i32
    %dma_start3A_20 = tpu.memref_slice %dma_start3A_18[%dma_start3A_9, %dma_start3A_19] : memref<250x80xi32, #tpu.memory_space<vmem>> -> memref<1x80xi32, #tpu.memory_space<vmem>>
    %dma_start3A_21 = tpu.memref_squeeze %dma_start3A_20 : memref<1x80xi32, #tpu.memory_space<vmem>> -> memref<80xi32, #tpu.memory_space<vmem>>
    %dma_start3A_22 = arith.constant 0 : i32
    %dma_start3A_23 = arith.constant 0 : i32
    %dma_start3A_24 = tpu.memref_slice %arg2[%dma_start3A_22, %dma_start3A_23] : memref<40960x64xf32, #tpu.memory_space<hbm>> -> memref<40960x64xf32, #tpu.memory_space<hbm>>
    tpu.enqueue_indirect_dma source(%dma_start3A_24 : memref<40960x64xf32, #tpu.memory_space<hbm>>) target(%dma_start3A_14 : memref<80x64xf32, #tpu.memory_space<vmem>>) offsets(%dma_start3A_21 : memref<80xi32, #tpu.memory_space<vmem>>) semaphore(%arg11 : memref<!tpu.dma_semaphore, #tpu.memory_space<semaphore_mem>>)
    %dma_wait3A = arith.constant 0 : i32
    %dma_wait3A_25 = arith.constant 0 : i32
    %dma_wait3A_26 = arith.constant 0 : i32
    %dma_wait3A_27 = arith.constant 0 : i32
    %dma_wait3A_28 = arith.constant 0 : i32
    %dma_wait3A_29 = tpu.memref_slice %arg9[%dma_wait3A_26, %dma_wait3A_27, %dma_wait3A_28] : memref<2x80x64xf32, #tpu.memory_space<vmem>> -> memref<1x80x64xf32, #tpu.memory_space<vmem>>
    %dma_wait3A_30 = tpu.memref_squeeze %dma_wait3A_29 : memref<1x80x64xf32, #tpu.memory_space<vmem>> -> memref<80x64xf32, #tpu.memory_space<vmem>>
    %dma_wait3A_31 = arith.constant 0 : i32
    %dma_wait3A_32 = arith.constant 0 : i32
    %dma_wait3A_33 = tpu.memref_slice %arg7[%dma_wait3A, %dma_wait3A_31, %dma_wait3A_32] : memref<2x250x80xi32, #tpu.memory_space<vmem>> -> memref<1x250x80xi32, #tpu.memory_space<vmem>>
    %dma_wait3A_34 = tpu.memref_squeeze %dma_wait3A_33 : memref<1x250x80xi32, #tpu.memory_space<vmem>> -> memref<250x80xi32, #tpu.memory_space<vmem>>
    %dma_wait3A_35 = arith.constant 0 : i32
    %dma_wait3A_36 = tpu.memref_slice %dma_wait3A_34[%dma_wait3A_25, %dma_wait3A_35] : memref<250x80xi32, #tpu.memory_space<vmem>> -> memref<1x80xi32, #tpu.memory_space<vmem>>
    %dma_wait3A_37 = tpu.memref_squeeze %dma_wait3A_36 : memref<1x80xi32, #tpu.memory_space<vmem>> -> memref<80xi32, #tpu.memory_space<vmem>>
    %dma_wait3A_38 = arith.constant 0 : i32
    %dma_wait3A_39 = arith.constant 0 : i32
    %dma_wait3A_40 = tpu.memref_slice %arg2[%dma_wait3A_38, %dma_wait3A_39] : memref<40960x64xf32, #tpu.memory_space<hbm>> -> memref<40960x64xf32, #tpu.memory_space<hbm>>
    tpu.wait_indirect_dma semaphore(%arg11 : memref<!tpu.dma_semaphore, #tpu.memory_space<semaphore_mem>>) src(%dma_wait3A_40 : memref<40960x64xf32, #tpu.memory_space<hbm>>) dst(%dma_wait3A_30 : memref<80x64xf32, #tpu.memory_space<vmem>>)
    %scan3A = arith.constant 0 : i32
    %scan3A_41 = arith.constant 0 : i32
    %scan3A_42 = arith.constant 0 : i32
    %scan3A_43 = arith.constant 249 : i32
    %scan3A_44 = arith.addi %scan3A_42, %scan3A_43 : i32
    %scan3A_45 = arith.constant 1 : i32
    scf.for %scan3A_115 = %scan3A_42 to %scan3A_44 step %scan3A_45  : i32 {
      %add3A_116 = arith.constant 1 : i32
      %add3A_117 = arith.addi %scan3A_115, %add3A_116 : i32
      %add3A_118 = arith.constant 1 : i32
      %add3A_119 = arith.addi %scan3A_115, %add3A_118 : i32
      %jit3A = arith.constant 2 : i32
      %eq3A = arith.constant 0 : i32
      %eq3A_120 = arith.cmpi eq, %jit3A, %eq3A : i32
      %jit3A_121 = arith.constant 1 : i32
      %select_n3A = arith.select %eq3A_120, %jit3A_121, %jit3A : i32
      %rem3A = arith.remsi %add3A_119, %select_n3A : i32
      %ne3A = arith.constant 0 : i32
      %ne3A_122 = arith.cmpi ne, %rem3A, %ne3A : i32
      %lt3A = arith.constant 0 : i32
      %lt3A_123 = arith.cmpi slt, %rem3A, %lt3A : i32
      %lt3A_124 = arith.constant 0 : i32
      %lt3A_125 = arith.cmpi slt, %select_n3A, %lt3A_124 : i32
      %ne3A_126 = arith.xori %lt3A_123, %lt3A_125 : i1
      %and3A = arith.andi %ne3A_126, %ne3A_122 : i1
      %add3A_127 = arith.addi %rem3A, %select_n3A : i32
      %select_n3A_128 = arith.select %and3A, %add3A_127, %rem3A : i32
      %dma_start3A_129 = arith.constant 0 : i32
      %dma_start3A_130 = arith.constant 0 : i32
      %dma_start3A_131 = tpu.memref_slice %arg9[%select_n3A_128, %dma_start3A_129, %dma_start3A_130] : memref<2x80x64xf32, #tpu.memory_space<vmem>> -> memref<1x80x64xf32, #tpu.memory_space<vmem>>
      %dma_start3A_132 = tpu.memref_squeeze %dma_start3A_131 : memref<1x80x64xf32, #tpu.memory_space<vmem>> -> memref<80x64xf32, #tpu.memory_space<vmem>>
      %dma_start3A_133 = arith.constant 0 : i32
      %dma_start3A_134 = arith.constant 0 : i32
      %dma_start3A_135 = tpu.memref_slice %arg7[%scan3A_41, %dma_start3A_133, %dma_start3A_134] : memref<2x250x80xi32, #tpu.memory_space<vmem>> -> memref<1x250x80xi32, #tpu.memory_space<vmem>>
      %dma_start3A_136 = tpu.memref_squeeze %dma_start3A_135 : memref<1x250x80xi32, #tpu.memory_space<vmem>> -> memref<250x80xi32, #tpu.memory_space<vmem>>
      %dma_start3A_137 = arith.constant 0 : i32
      %dma_start3A_138 = tpu.memref_slice %dma_start3A_136[%add3A_117, %dma_start3A_137] : memref<250x80xi32, #tpu.memory_space<vmem>> -> memref<1x80xi32, #tpu.memory_space<vmem>>
      %dma_start3A_139 = tpu.memref_squeeze %dma_start3A_138 : memref<1x80xi32, #tpu.memory_space<vmem>> -> memref<80xi32, #tpu.memory_space<vmem>>
      %dma_start3A_140 = arith.constant 0 : i32
      %dma_start3A_141 = arith.constant 0 : i32
      %dma_start3A_142 = tpu.memref_slice %arg2[%dma_start3A_140, %dma_start3A_141] : memref<40960x64xf32, #tpu.memory_space<hbm>> -> memref<40960x64xf32, #tpu.memory_space<hbm>>
      tpu.enqueue_indirect_dma source(%dma_start3A_142 : memref<40960x64xf32, #tpu.memory_space<hbm>>) target(%dma_start3A_132 : memref<80x64xf32, #tpu.memory_space<vmem>>) offsets(%dma_start3A_139 : memref<80xi32, #tpu.memory_space<vmem>>) semaphore(%arg11 : memref<!tpu.dma_semaphore, #tpu.memory_space<semaphore_mem>>)
      %jit3A_143 = arith.constant 2 : i32
      %eq3A_144 = arith.constant 0 : i32
      %eq3A_145 = arith.cmpi eq, %jit3A_143, %eq3A_144 : i32
      %jit3A_146 = arith.constant 1 : i32
      %select_n3A_147 = arith.select %eq3A_145, %jit3A_146, %jit3A_143 : i32
      %rem3A_148 = arith.remsi %scan3A_115, %select_n3A_147 : i32
      %ne3A_149 = arith.constant 0 : i32
      %ne3A_150 = arith.cmpi ne, %rem3A_148, %ne3A_149 : i32
      %lt3A_151 = arith.constant 0 : i32
      %lt3A_152 = arith.cmpi slt, %rem3A_148, %lt3A_151 : i32
      %lt3A_153 = arith.constant 0 : i32
      %lt3A_154 = arith.cmpi slt, %select_n3A_147, %lt3A_153 : i32
      %ne3A_155 = arith.xori %lt3A_152, %lt3A_154 : i1
      %and3A_156 = arith.andi %ne3A_155, %ne3A_150 : i1
      %add3A_157 = arith.addi %rem3A_148, %select_n3A_147 : i32
      %select_n3A_158 = arith.select %and3A_156, %add3A_157, %rem3A_148 : i32
      "tpu.region"() ({
        %run_scoped3A_173 = tpu.sem_alloc : memref<!tpu.dma_semaphore, #tpu.memory_space<semaphore_mem>>
        %dma_start3A_174 = arith.constant 0 : i32
        %dma_start3A_175 = arith.constant 0 : i32
        %dma_start3A_176 = tpu.memref_slice %arg9[%select_n3A_158, %dma_start3A_174, %dma_start3A_175] : memref<2x80x64xf32, #tpu.memory_space<vmem>> -> memref<1x80x64xf32, #tpu.memory_space<vmem>>
        %dma_start3A_177 = tpu.memref_squeeze %dma_start3A_176 : memref<1x80x64xf32, #tpu.memory_space<vmem>> -> memref<80x64xf32, #tpu.memory_space<vmem>>
        %dma_start3A_178 = arith.constant 0 : i32
        %dma_start3A_179 = tpu.memref_slice %arg8[%scan3A_115, %dma_start3A_178] : memref<250x80xi32, #tpu.memory_space<vmem>> -> memref<1x80xi32, #tpu.memory_space<vmem>>
        %dma_start3A_180 = tpu.memref_squeeze %dma_start3A_179 : memref<1x80xi32, #tpu.memory_space<vmem>> -> memref<80xi32, #tpu.memory_space<vmem>>
        %dma_start3A_181 = arith.constant 0 : i32
        %dma_start3A_182 = arith.constant 0 : i32
        %dma_start3A_183 = tpu.memref_slice %arg10[%dma_start3A_181, %dma_start3A_182] : memref<10240x64xf32, #tpu.memory_space<vmem_shared>> -> memref<10240x64xf32, #tpu.memory_space<vmem_shared>>
        tpu.enqueue_indirect_dma source(%dma_start3A_177 : memref<80x64xf32, #tpu.memory_space<vmem>>) target(%dma_start3A_183 : memref<10240x64xf32, #tpu.memory_space<vmem_shared>>) offsets(%dma_start3A_180 : memref<80xi32, #tpu.memory_space<vmem>>) semaphore(%run_scoped3A_173 : memref<!tpu.dma_semaphore, #tpu.memory_space<semaphore_mem>>) {add = true}
        %dma_wait3A_184 = arith.constant 0 : i32
        %dma_wait3A_185 = arith.constant 0 : i32
        %dma_wait3A_186 = tpu.memref_slice %arg9[%select_n3A_158, %dma_wait3A_184, %dma_wait3A_185] : memref<2x80x64xf32, #tpu.memory_space<vmem>> -> memref<1x80x64xf32, #tpu.memory_space<vmem>>
        %dma_wait3A_187 = tpu.memref_squeeze %dma_wait3A_186 : memref<1x80x64xf32, #tpu.memory_space<vmem>> -> memref<80x64xf32, #tpu.memory_space<vmem>>
        %dma_wait3A_188 = arith.constant 0 : i32
        %dma_wait3A_189 = tpu.memref_slice %arg8[%scan3A_115, %dma_wait3A_188] : memref<250x80xi32, #tpu.memory_space<vmem>> -> memref<1x80xi32, #tpu.memory_space<vmem>>
        %dma_wait3A_190 = tpu.memref_squeeze %dma_wait3A_189 : memref<1x80xi32, #tpu.memory_space<vmem>> -> memref<80xi32, #tpu.memory_space<vmem>>
        %dma_wait3A_191 = arith.constant 0 : i32
        %dma_wait3A_192 = arith.constant 0 : i32
        %dma_wait3A_193 = tpu.memref_slice %arg10[%dma_wait3A_191, %dma_wait3A_192] : memref<10240x64xf32, #tpu.memory_space<vmem_shared>> -> memref<10240x64xf32, #tpu.memory_space<vmem_shared>>
        tpu.wait_indirect_dma semaphore(%run_scoped3A_173 : memref<!tpu.dma_semaphore, #tpu.memory_space<semaphore_mem>>) src(%dma_wait3A_187 : memref<80x64xf32, #tpu.memory_space<vmem>>) dst(%dma_wait3A_193 : memref<10240x64xf32, #tpu.memory_space<vmem_shared>>)
        tpu.yield
      }) : () -> ()
      %dma_wait3A_159 = arith.constant 0 : i32
      %dma_wait3A_160 = arith.constant 0 : i32
      %dma_wait3A_161 = tpu.memref_slice %arg9[%select_n3A_128, %dma_wait3A_159, %dma_wait3A_160] : memref<2x80x64xf32, #tpu.memory_space<vmem>> -> memref<1x80x64xf32, #tpu.memory_space<vmem>>
      %dma_wait3A_162 = tpu.memref_squeeze %dma_wait3A_161 : memref<1x80x64xf32, #tpu.memory_space<vmem>> -> memref<80x64xf32, #tpu.memory_space<vmem>>
      %dma_wait3A_163 = arith.constant 0 : i32
      %dma_wait3A_164 = arith.constant 0 : i32
      %dma_wait3A_165 = tpu.memref_slice %arg7[%scan3A_41, %dma_wait3A_163, %dma_wait3A_164] : memref<2x250x80xi32, #tpu.memory_space<vmem>> -> memref<1x250x80xi32, #tpu.memory_space<vmem>>
      %dma_wait3A_166 = tpu.memref_squeeze %dma_wait3A_165 : memref<1x250x80xi32, #tpu.memory_space<vmem>> -> memref<250x80xi32, #tpu.memory_space<vmem>>
      %dma_wait3A_167 = arith.constant 0 : i32
      %dma_wait3A_168 = tpu.memref_slice %dma_wait3A_166[%add3A_117, %dma_wait3A_167] : memref<250x80xi32, #tpu.memory_space<vmem>> -> memref<1x80xi32, #tpu.memory_space<vmem>>
      %dma_wait3A_169 = tpu.memref_squeeze %dma_wait3A_168 : memref<1x80xi32, #tpu.memory_space<vmem>> -> memref<80xi32, #tpu.memory_space<vmem>>
      %dma_wait3A_170 = arith.constant 0 : i32
      %dma_wait3A_171 = arith.constant 0 : i32
      %dma_wait3A_172 = tpu.memref_slice %arg2[%dma_wait3A_170, %dma_wait3A_171] : memref<40960x64xf32, #tpu.memory_space<hbm>> -> memref<40960x64xf32, #tpu.memory_space<hbm>>
      tpu.wait_indirect_dma semaphore(%arg11 : memref<!tpu.dma_semaphore, #tpu.memory_space<semaphore_mem>>) src(%dma_wait3A_172 : memref<40960x64xf32, #tpu.memory_space<hbm>>) dst(%dma_wait3A_162 : memref<80x64xf32, #tpu.memory_space<vmem>>)
    }
    %scan3A_46 = arith.constant 249 : i32
    %run_scoped3A_47 = arith.constant 1 : i32
    %run_scoped3A_48 = arith.constant 249 : i32
    "tpu.region"() ({
      %run_scoped3A_115 = tpu.sem_alloc : memref<!tpu.dma_semaphore, #tpu.memory_space<semaphore_mem>>
      %dma_start3A_116 = arith.constant 0 : i32
      %dma_start3A_117 = arith.constant 0 : i32
      %dma_start3A_118 = tpu.memref_slice %arg9[%run_scoped3A_47, %dma_start3A_116, %dma_start3A_117] : memref<2x80x64xf32, #tpu.memory_space<vmem>> -> memref<1x80x64xf32, #tpu.memory_space<vmem>>
      %dma_start3A_119 = tpu.memref_squeeze %dma_start3A_118 : memref<1x80x64xf32, #tpu.memory_space<vmem>> -> memref<80x64xf32, #tpu.memory_space<vmem>>
      %dma_start3A_120 = arith.constant 0 : i32
      %dma_start3A_121 = tpu.memref_slice %arg8[%run_scoped3A_48, %dma_start3A_120] : memref<250x80xi32, #tpu.memory_space<vmem>> -> memref<1x80xi32, #tpu.memory_space<vmem>>
      %dma_start3A_122 = tpu.memref_squeeze %dma_start3A_121 : memref<1x80xi32, #tpu.memory_space<vmem>> -> memref<80xi32, #tpu.memory_space<vmem>>
      %dma_start3A_123 = arith.constant 0 : i32
      %dma_start3A_124 = arith.constant 0 : i32
      %dma_start3A_125 = tpu.memref_slice %arg10[%dma_start3A_123, %dma_start3A_124] : memref<10240x64xf32, #tpu.memory_space<vmem_shared>> -> memref<10240x64xf32, #tpu.memory_space<vmem_shared>>
      tpu.enqueue_indirect_dma source(%dma_start3A_119 : memref<80x64xf32, #tpu.memory_space<vmem>>) target(%dma_start3A_125 : memref<10240x64xf32, #tpu.memory_space<vmem_shared>>) offsets(%dma_start3A_122 : memref<80xi32, #tpu.memory_space<vmem>>) semaphore(%run_scoped3A_115 : memref<!tpu.dma_semaphore, #tpu.memory_space<semaphore_mem>>) {add = true}
      %dma_wait3A_126 = arith.constant 0 : i32
      %dma_wait3A_127 = arith.constant 0 : i32
      %dma_wait3A_128 = tpu.memref_slice %arg9[%run_scoped3A_47, %dma_wait3A_126, %dma_wait3A_127] : memref<2x80x64xf32, #tpu.memory_space<vmem>> -> memref<1x80x64xf32, #tpu.memory_space<vmem>>
      %dma_wait3A_129 = tpu.memref_squeeze %dma_wait3A_128 : memref<1x80x64xf32, #tpu.memory_space<vmem>> -> memref<80x64xf32, #tpu.memory_space<vmem>>
      %dma_wait3A_130 = arith.constant 0 : i32
      %dma_wait3A_131 = tpu.memref_slice %arg8[%run_scoped3A_48, %dma_wait3A_130] : memref<250x80xi32, #tpu.memory_space<vmem>> -> memref<1x80xi32, #tpu.memory_space<vmem>>
      %dma_wait3A_132 = tpu.memref_squeeze %dma_wait3A_131 : memref<1x80xi32, #tpu.memory_space<vmem>> -> memref<80xi32, #tpu.memory_space<vmem>>
      %dma_wait3A_133 = arith.constant 0 : i32
      %dma_wait3A_134 = arith.constant 0 : i32
      %dma_wait3A_135 = tpu.memref_slice %arg10[%dma_wait3A_133, %dma_wait3A_134] : memref<10240x64xf32, #tpu.memory_space<vmem_shared>> -> memref<10240x64xf32, #tpu.memory_space<vmem_shared>>
      tpu.wait_indirect_dma semaphore(%run_scoped3A_115 : memref<!tpu.dma_semaphore, #tpu.memory_space<semaphore_mem>>) src(%dma_wait3A_129 : memref<80x64xf32, #tpu.memory_space<vmem>>) dst(%dma_wait3A_135 : memref<10240x64xf32, #tpu.memory_space<vmem_shared>>)
      tpu.yield
    }) : () -> ()
    %barrier3A_49 = arith.constant 0 : index
    tpu.barrier barrier_id(%barrier3A_49)
    %mul3A_50 = arith.constant 640 : i32
    %mul3A_51 = arith.muli %arg1, %mul3A_50 : i32
    %mul3A_52 = arith.constant 2 : i32
    %mul3A_53 = arith.muli %arg0, %mul3A_52 : i32
    %add3A_54 = arith.constant 0 : i32
    %add3A_55 = arith.addi %mul3A_53, %add3A_54 : i32
    %mul3A_56 = arith.constant 640 : i32
    %mul3A_57 = arith.muli %arg1, %mul3A_56 : i32
    "tpu.region"() ({
      %run_scoped3A_115 = tpu.sem_alloc : memref<!tpu.dma_semaphore, #tpu.memory_space<semaphore_mem>>
      %dma_start3A_116 = arith.constant 0 : i32
      %dma_start3A_117 = tpu.memref_slice %arg6[%add3A_55, %mul3A_57, %dma_start3A_116] : memref<4x10240x64xf32, #tpu.memory_space<hbm>> -> memref<1x640x64xf32, #tpu.memory_space<hbm>>
      %dma_start3A_118 = tpu.memref_squeeze %dma_start3A_117 : memref<1x640x64xf32, #tpu.memory_space<hbm>> -> memref<640x64xf32, #tpu.memory_space<hbm>>
      %dma_start3A_119 = arith.constant 0 : i32
      %dma_start3A_120 = tpu.memref_slice %arg10[%mul3A_51, %dma_start3A_119] : memref<10240x64xf32, #tpu.memory_space<vmem_shared>> -> memref<640x64xf32, #tpu.memory_space<vmem_shared>>
      tpu.enqueue_dma source(%dma_start3A_120 : memref<640x64xf32, #tpu.memory_space<vmem_shared>>) target(%dma_start3A_118 : memref<640x64xf32, #tpu.memory_space<hbm>>) target_semaphore(%run_scoped3A_115 : memref<!tpu.dma_semaphore, #tpu.memory_space<semaphore_mem>>)
      %dma_wait3A_121 = arith.constant 0 : i32
      %dma_wait3A_122 = tpu.memref_slice %arg6[%add3A_55, %mul3A_57, %dma_wait3A_121] : memref<4x10240x64xf32, #tpu.memory_space<hbm>> -> memref<1x640x64xf32, #tpu.memory_space<hbm>>
      %dma_wait3A_123 = tpu.memref_squeeze %dma_wait3A_122 : memref<1x640x64xf32, #tpu.memory_space<hbm>> -> memref<640x64xf32, #tpu.memory_space<hbm>>
      %dma_wait3A_124 = arith.constant 0 : i32
      %dma_wait3A_125 = tpu.memref_slice %arg10[%mul3A_51, %dma_wait3A_124] : memref<10240x64xf32, #tpu.memory_space<vmem_shared>> -> memref<640x64xf32, #tpu.memory_space<vmem_shared>>
      tpu.wait_dma2 semaphore(%run_scoped3A_115 : memref<!tpu.dma_semaphore, #tpu.memory_space<semaphore_mem>>) src(%dma_wait3A_125 : memref<640x64xf32, #tpu.memory_space<vmem_shared>>) dst(%dma_wait3A_123 : memref<640x64xf32, #tpu.memory_space<hbm>>)
      tpu.yield
    }) : () -> ()
    %mul3A_58 = arith.constant 640 : i32
    %mul3A_59 = arith.muli %arg1, %mul3A_58 : i32
    %mul3A_60 = arith.constant 640 : i32
    %mul3A_61 = arith.muli %arg1, %mul3A_60 : i32
    "tpu.region"() ({
      %run_scoped3A_115 = tpu.sem_alloc : memref<!tpu.dma_semaphore, #tpu.memory_space<semaphore_mem>>
      %dma_start3A_116 = arith.constant 0 : i32
      %dma_start3A_117 = tpu.memref_slice %arg10[%mul3A_61, %dma_start3A_116] : memref<10240x64xf32, #tpu.memory_space<vmem_shared>> -> memref<640x64xf32, #tpu.memory_space<vmem_shared>>
      %dma_start3A_118 = arith.constant 0 : i32
      %dma_start3A_119 = tpu.memref_slice %arg5[%mul3A_59, %dma_start3A_118] : memref<10240x64xf32, #tpu.memory_space<hbm>> -> memref<640x64xf32, #tpu.memory_space<hbm>>
      tpu.enqueue_dma source(%dma_start3A_119 : memref<640x64xf32, #tpu.memory_space<hbm>>) target(%dma_start3A_117 : memref<640x64xf32, #tpu.memory_space<vmem_shared>>) target_semaphore(%run_scoped3A_115 : memref<!tpu.dma_semaphore, #tpu.memory_space<semaphore_mem>>)
      %dma_wait3A_120 = arith.constant 0 : i32
      %dma_wait3A_121 = tpu.memref_slice %arg10[%mul3A_61, %dma_wait3A_120] : memref<10240x64xf32, #tpu.memory_space<vmem_shared>> -> memref<640x64xf32, #tpu.memory_space<vmem_shared>>
      %dma_wait3A_122 = arith.constant 0 : i32
      %dma_wait3A_123 = tpu.memref_slice %arg5[%mul3A_59, %dma_wait3A_122] : memref<10240x64xf32, #tpu.memory_space<hbm>> -> memref<640x64xf32, #tpu.memory_space<hbm>>
      tpu.wait_dma2 semaphore(%run_scoped3A_115 : memref<!tpu.dma_semaphore, #tpu.memory_space<semaphore_mem>>) src(%dma_wait3A_123 : memref<640x64xf32, #tpu.memory_space<hbm>>) dst(%dma_wait3A_121 : memref<640x64xf32, #tpu.memory_space<vmem_shared>>)
      tpu.yield
    }) : () -> ()
    %barrier3A_62 = arith.constant 0 : index
    tpu.barrier barrier_id(%barrier3A_62)
    %dma_start3A_63 = arith.constant 1 : i32
    %dma_start3A_64 = arith.constant 0 : i32
    %dma_start3A_65 = arith.constant 0 : i32
    %dma_start3A_66 = arith.constant 0 : i32
    %dma_start3A_67 = arith.constant 0 : i32
    %dma_start3A_68 = tpu.memref_slice %arg9[%dma_start3A_65, %dma_start3A_66, %dma_start3A_67] : memref<2x80x64xf32, #tpu.memory_space<vmem>> -> memref<1x80x64xf32, #tpu.memory_space<vmem>>
    %dma_start3A_69 = tpu.memref_squeeze %dma_start3A_68 : memref<1x80x64xf32, #tpu.memory_space<vmem>> -> memref<80x64xf32, #tpu.memory_space<vmem>>
    %dma_start3A_70 = arith.constant 0 : i32
    %dma_start3A_71 = arith.constant 0 : i32
    %dma_start3A_72 = tpu.memref_slice %arg7[%dma_start3A_63, %dma_start3A_70, %dma_start3A_71] : memref<2x250x80xi32, #tpu.memory_space<vmem>> -> memref<1x250x80xi32, #tpu.memory_space<vmem>>
    %dma_start3A_73 = tpu.memref_squeeze %dma_start3A_72 : memref<1x250x80xi32, #tpu.memory_space<vmem>> -> memref<250x80xi32, #tpu.memory_space<vmem>>
    %dma_start3A_74 = arith.constant 0 : i32
    %dma_start3A_75 = tpu.memref_slice %dma_start3A_73[%dma_start3A_64, %dma_start3A_74] : memref<250x80xi32, #tpu.memory_space<vmem>> -> memref<1x80xi32, #tpu.memory_space<vmem>>
    %dma_start3A_76 = tpu.memref_squeeze %dma_start3A_75 : memref<1x80xi32, #tpu.memory_space<vmem>> -> memref<80xi32, #tpu.memory_space<vmem>>
    %dma_start3A_77 = arith.constant 0 : i32
    %dma_start3A_78 = arith.constant 0 : i32
    %dma_start3A_79 = tpu.memref_slice %arg2[%dma_start3A_77, %dma_start3A_78] : memref<40960x64xf32, #tpu.memory_space<hbm>> -> memref<40960x64xf32, #tpu.memory_space<hbm>>
    tpu.enqueue_indirect_dma source(%dma_start3A_79 : memref<40960x64xf32, #tpu.memory_space<hbm>>) target(%dma_start3A_69 : memref<80x64xf32, #tpu.memory_space<vmem>>) offsets(%dma_start3A_76 : memref<80xi32, #tpu.memory_space<vmem>>) semaphore(%arg11 : memref<!tpu.dma_semaphore, #tpu.memory_space<semaphore_mem>>)
    %dma_wait3A_80 = arith.constant 1 : i32
    %dma_wait3A_81 = arith.constant 0 : i32
    %dma_wait3A_82 = arith.constant 0 : i32
    %dma_wait3A_83 = arith.constant 0 : i32
    %dma_wait3A_84 = arith.constant 0 : i32
    %dma_wait3A_85 = tpu.memref_slice %arg9[%dma_wait3A_82, %dma_wait3A_83, %dma_wait3A_84] : memref<2x80x64xf32, #tpu.memory_space<vmem>> -> memref<1x80x64xf32, #tpu.memory_space<vmem>>
    %dma_wait3A_86 = tpu.memref_squeeze %dma_wait3A_85 : memref<1x80x64xf32, #tpu.memory_space<vmem>> -> memref<80x64xf32, #tpu.memory_space<vmem>>
    %dma_wait3A_87 = arith.constant 0 : i32
    %dma_wait3A_88 = arith.constant 0 : i32
    %dma_wait3A_89 = tpu.memref_slice %arg7[%dma_wait3A_80, %dma_wait3A_87, %dma_wait3A_88] : memref<2x250x80xi32, #tpu.memory_space<vmem>> -> memref<1x250x80xi32, #tpu.memory_space<vmem>>
    %dma_wait3A_90 = tpu.memref_squeeze %dma_wait3A_89 : memref<1x250x80xi32, #tpu.memory_space<vmem>> -> memref<250x80xi32, #tpu.memory_space<vmem>>
    %dma_wait3A_91 = arith.constant 0 : i32
    %dma_wait3A_92 = tpu.memref_slice %dma_wait3A_90[%dma_wait3A_81, %dma_wait3A_91] : memref<250x80xi32, #tpu.memory_space<vmem>> -> memref<1x80xi32, #tpu.memory_space<vmem>>
    %dma_wait3A_93 = tpu.memref_squeeze %dma_wait3A_92 : memref<1x80xi32, #tpu.memory_space<vmem>> -> memref<80xi32, #tpu.memory_space<vmem>>
    %dma_wait3A_94 = arith.constant 0 : i32
    %dma_wait3A_95 = arith.constant 0 : i32
    %dma_wait3A_96 = tpu.memref_slice %arg2[%dma_wait3A_94, %dma_wait3A_95] : memref<40960x64xf32, #tpu.memory_space<hbm>> -> memref<40960x64xf32, #tpu.memory_space<hbm>>
    tpu.wait_indirect_dma semaphore(%arg11 : memref<!tpu.dma_semaphore, #tpu.memory_space<semaphore_mem>>) src(%dma_wait3A_96 : memref<40960x64xf32, #tpu.memory_space<hbm>>) dst(%dma_wait3A_86 : memref<80x64xf32, #tpu.memory_space<vmem>>)
    %scan3A_97 = arith.constant 0 : i32
    %scan3A_98 = arith.constant 1 : i32
    %scan3A_99 = arith.constant 0 : i32
    %scan3A_100 = arith.constant 249 : i32
    %scan3A_101 = arith.addi %scan3A_99, %scan3A_100 : i32
    %scan3A_102 = arith.constant 1 : i32
    scf.for %scan3A_115 = %scan3A_99 to %scan3A_101 step %scan3A_102  : i32 {
      %add3A_116 = arith.constant 1 : i32
      %add3A_117 = arith.addi %scan3A_115, %add3A_116 : i32
      %add3A_118 = arith.constant 1 : i32
      %add3A_119 = arith.addi %scan3A_115, %add3A_118 : i32
      %jit3A = arith.constant 2 : i32
      %eq3A = arith.constant 0 : i32
      %eq3A_120 = arith.cmpi eq, %jit3A, %eq3A : i32
      %jit3A_121 = arith.constant 1 : i32
      %select_n3A = arith.select %eq3A_120, %jit3A_121, %jit3A : i32
      %rem3A = arith.remsi %add3A_119, %select_n3A : i32
      %ne3A = arith.constant 0 : i32
      %ne3A_122 = arith.cmpi ne, %rem3A, %ne3A : i32
      %lt3A = arith.constant 0 : i32
      %lt3A_123 = arith.cmpi slt, %rem3A, %lt3A : i32
      %lt3A_124 = arith.constant 0 : i32
      %lt3A_125 = arith.cmpi slt, %select_n3A, %lt3A_124 : i32
      %ne3A_126 = arith.xori %lt3A_123, %lt3A_125 : i1
      %and3A = arith.andi %ne3A_126, %ne3A_122 : i1
      %add3A_127 = arith.addi %rem3A, %select_n3A : i32
      %select_n3A_128 = arith.select %and3A, %add3A_127, %rem3A : i32
      %dma_start3A_129 = arith.constant 0 : i32
      %dma_start3A_130 = arith.constant 0 : i32
      %dma_start3A_131 = tpu.memref_slice %arg9[%select_n3A_128, %dma_start3A_129, %dma_start3A_130] : memref<2x80x64xf32, #tpu.memory_space<vmem>> -> memref<1x80x64xf32, #tpu.memory_space<vmem>>
      %dma_start3A_132 = tpu.memref_squeeze %dma_start3A_131 : memref<1x80x64xf32, #tpu.memory_space<vmem>> -> memref<80x64xf32, #tpu.memory_space<vmem>>
      %dma_start3A_133 = arith.constant 0 : i32
      %dma_start3A_134 = arith.constant 0 : i32
      %dma_start3A_135 = tpu.memref_slice %arg7[%scan3A_98, %dma_start3A_133, %dma_start3A_134] : memref<2x250x80xi32, #tpu.memory_space<vmem>> -> memref<1x250x80xi32, #tpu.memory_space<vmem>>
      %dma_start3A_136 = tpu.memref_squeeze %dma_start3A_135 : memref<1x250x80xi32, #tpu.memory_space<vmem>> -> memref<250x80xi32, #tpu.memory_space<vmem>>
      %dma_start3A_137 = arith.constant 0 : i32
      %dma_start3A_138 = tpu.memref_slice %dma_start3A_136[%add3A_117, %dma_start3A_137] : memref<250x80xi32, #tpu.memory_space<vmem>> -> memref<1x80xi32, #tpu.memory_space<vmem>>
      %dma_start3A_139 = tpu.memref_squeeze %dma_start3A_138 : memref<1x80xi32, #tpu.memory_space<vmem>> -> memref<80xi32, #tpu.memory_space<vmem>>
      %dma_start3A_140 = arith.constant 0 : i32
      %dma_start3A_141 = arith.constant 0 : i32
      %dma_start3A_142 = tpu.memref_slice %arg2[%dma_start3A_140, %dma_start3A_141] : memref<40960x64xf32, #tpu.memory_space<hbm>> -> memref<40960x64xf32, #tpu.memory_space<hbm>>
      tpu.enqueue_indirect_dma source(%dma_start3A_142 : memref<40960x64xf32, #tpu.memory_space<hbm>>) target(%dma_start3A_132 : memref<80x64xf32, #tpu.memory_space<vmem>>) offsets(%dma_start3A_139 : memref<80xi32, #tpu.memory_space<vmem>>) semaphore(%arg11 : memref<!tpu.dma_semaphore, #tpu.memory_space<semaphore_mem>>)
      %jit3A_143 = arith.constant 2 : i32
      %eq3A_144 = arith.constant 0 : i32
      %eq3A_145 = arith.cmpi eq, %jit3A_143, %eq3A_144 : i32
      %jit3A_146 = arith.constant 1 : i32
      %select_n3A_147 = arith.select %eq3A_145, %jit3A_146, %jit3A_143 : i32
      %rem3A_148 = arith.remsi %scan3A_115, %select_n3A_147 : i32
      %ne3A_149 = arith.constant 0 : i32
      %ne3A_150 = arith.cmpi ne, %rem3A_148, %ne3A_149 : i32
      %lt3A_151 = arith.constant 0 : i32
      %lt3A_152 = arith.cmpi slt, %rem3A_148, %lt3A_151 : i32
      %lt3A_153 = arith.constant 0 : i32
      %lt3A_154 = arith.cmpi slt, %select_n3A_147, %lt3A_153 : i32
      %ne3A_155 = arith.xori %lt3A_152, %lt3A_154 : i1
      %and3A_156 = arith.andi %ne3A_155, %ne3A_150 : i1
      %add3A_157 = arith.addi %rem3A_148, %select_n3A_147 : i32
      %select_n3A_158 = arith.select %and3A_156, %add3A_157, %rem3A_148 : i32
      "tpu.region"() ({
        %run_scoped3A_173 = tpu.sem_alloc : memref<!tpu.dma_semaphore, #tpu.memory_space<semaphore_mem>>
        %dma_start3A_174 = arith.constant 0 : i32
        %dma_start3A_175 = arith.constant 0 : i32
        %dma_start3A_176 = tpu.memref_slice %arg9[%select_n3A_158, %dma_start3A_174, %dma_start3A_175] : memref<2x80x64xf32, #tpu.memory_space<vmem>> -> memref<1x80x64xf32, #tpu.memory_space<vmem>>
        %dma_start3A_177 = tpu.memref_squeeze %dma_start3A_176 : memref<1x80x64xf32, #tpu.memory_space<vmem>> -> memref<80x64xf32, #tpu.memory_space<vmem>>
        %dma_start3A_178 = arith.constant 0 : i32
        %dma_start3A_179 = tpu.memref_slice %arg8[%scan3A_115, %dma_start3A_178] : memref<250x80xi32, #tpu.memory_space<vmem>> -> memref<1x80xi32, #tpu.memory_space<vmem>>
        %dma_start3A_180 = tpu.memref_squeeze %dma_start3A_179 : memref<1x80xi32, #tpu.memory_space<vmem>> -> memref<80xi32, #tpu.memory_space<vmem>>
        %dma_start3A_181 = arith.constant 0 : i32
        %dma_start3A_182 = arith.constant 0 : i32
        %dma_start3A_183 = tpu.memref_slice %arg10[%dma_start3A_181, %dma_start3A_182] : memref<10240x64xf32, #tpu.memory_space<vmem_shared>> -> memref<10240x64xf32, #tpu.memory_space<vmem_shared>>
        tpu.enqueue_indirect_dma source(%dma_start3A_177 : memref<80x64xf32, #tpu.memory_space<vmem>>) target(%dma_start3A_183 : memref<10240x64xf32, #tpu.memory_space<vmem_shared>>) offsets(%dma_start3A_180 : memref<80xi32, #tpu.memory_space<vmem>>) semaphore(%run_scoped3A_173 : memref<!tpu.dma_semaphore, #tpu.memory_space<semaphore_mem>>) {add = true}
        %dma_wait3A_184 = arith.constant 0 : i32
        %dma_wait3A_185 = arith.constant 0 : i32
        %dma_wait3A_186 = tpu.memref_slice %arg9[%select_n3A_158, %dma_wait3A_184, %dma_wait3A_185] : memref<2x80x64xf32, #tpu.memory_space<vmem>> -> memref<1x80x64xf32, #tpu.memory_space<vmem>>
        %dma_wait3A_187 = tpu.memref_squeeze %dma_wait3A_186 : memref<1x80x64xf32, #tpu.memory_space<vmem>> -> memref<80x64xf32, #tpu.memory_space<vmem>>
        %dma_wait3A_188 = arith.constant 0 : i32
        %dma_wait3A_189 = tpu.memref_slice %arg8[%scan3A_115, %dma_wait3A_188] : memref<250x80xi32, #tpu.memory_space<vmem>> -> memref<1x80xi32, #tpu.memory_space<vmem>>
        %dma_wait3A_190 = tpu.memref_squeeze %dma_wait3A_189 : memref<1x80xi32, #tpu.memory_space<vmem>> -> memref<80xi32, #tpu.memory_space<vmem>>
        %dma_wait3A_191 = arith.constant 0 : i32
        %dma_wait3A_192 = arith.constant 0 : i32
        %dma_wait3A_193 = tpu.memref_slice %arg10[%dma_wait3A_191, %dma_wait3A_192] : memref<10240x64xf32, #tpu.memory_space<vmem_shared>> -> memref<10240x64xf32, #tpu.memory_space<vmem_shared>>
        tpu.wait_indirect_dma semaphore(%run_scoped3A_173 : memref<!tpu.dma_semaphore, #tpu.memory_space<semaphore_mem>>) src(%dma_wait3A_187 : memref<80x64xf32, #tpu.memory_space<vmem>>) dst(%dma_wait3A_193 : memref<10240x64xf32, #tpu.memory_space<vmem_shared>>)
        tpu.yield
      }) : () -> ()
      %dma_wait3A_159 = arith.constant 0 : i32
      %dma_wait3A_160 = arith.constant 0 : i32
      %dma_wait3A_161 = tpu.memref_slice %arg9[%select_n3A_128, %dma_wait3A_159, %dma_wait3A_160] : memref<2x80x64xf32, #tpu.memory_space<vmem>> -> memref<1x80x64xf32, #tpu.memory_space<vmem>>
      %dma_wait3A_162 = tpu.memref_squeeze %dma_wait3A_161 : memref<1x80x64xf32, #tpu.memory_space<vmem>> -> memref<80x64xf32, #tpu.memory_space<vmem>>
      %dma_wait3A_163 = arith.constant 0 : i32
      %dma_wait3A_164 = arith.constant 0 : i32
      %dma_wait3A_165 = tpu.memref_slice %arg7[%scan3A_98, %dma_wait3A_163, %dma_wait3A_164] : memref<2x250x80xi32, #tpu.memory_space<vmem>> -> memref<1x250x80xi32, #tpu.memory_space<vmem>>
      %dma_wait3A_166 = tpu.memref_squeeze %dma_wait3A_165 : memref<1x250x80xi32, #tpu.memory_space<vmem>> -> memref<250x80xi32, #tpu.memory_space<vmem>>
      %dma_wait3A_167 = arith.constant 0 : i32
      %dma_wait3A_168 = tpu.memref_slice %dma_wait3A_166[%add3A_117, %dma_wait3A_167] : memref<250x80xi32, #tpu.memory_space<vmem>> -> memref<1x80xi32, #tpu.memory_space<vmem>>
      %dma_wait3A_169 = tpu.memref_squeeze %dma_wait3A_168 : memref<1x80xi32, #tpu.memory_space<vmem>> -> memref<80xi32, #tpu.memory_space<vmem>>
      %dma_wait3A_170 = arith.constant 0 : i32
      %dma_wait3A_171 = arith.constant 0 : i32
      %dma_wait3A_172 = tpu.memref_slice %arg2[%dma_wait3A_170, %dma_wait3A_171] : memref<40960x64xf32, #tpu.memory_space<hbm>> -> memref<40960x64xf32, #tpu.memory_space<hbm>>
      tpu.wait_indirect_dma semaphore(%arg11 : memref<!tpu.dma_semaphore, #tpu.memory_space<semaphore_mem>>) src(%dma_wait3A_172 : memref<40960x64xf32, #tpu.memory_space<hbm>>) dst(%dma_wait3A_162 : memref<80x64xf32, #tpu.memory_space<vmem>>)
    }
    %scan3A_103 = arith.constant 249 : i32
    %run_scoped3A_104 = arith.constant 1 : i32
    %run_scoped3A_105 = arith.constant 249 : i32
    "tpu.region"() ({
      %run_scoped3A_115 = tpu.sem_alloc : memref<!tpu.dma_semaphore, #tpu.memory_space<semaphore_mem>>
      %dma_start3A_116 = arith.constant 0 : i32
      %dma_start3A_117 = arith.constant 0 : i32
      %dma_start3A_118 = tpu.memref_slice %arg9[%run_scoped3A_104, %dma_start3A_116, %dma_start3A_117] : memref<2x80x64xf32, #tpu.memory_space<vmem>> -> memref<1x80x64xf32, #tpu.memory_space<vmem>>
      %dma_start3A_119 = tpu.memref_squeeze %dma_start3A_118 : memref<1x80x64xf32, #tpu.memory_space<vmem>> -> memref<80x64xf32, #tpu.memory_space<vmem>>
      %dma_start3A_120 = arith.constant 0 : i32
      %dma_start3A_121 = tpu.memref_slice %arg8[%run_scoped3A_105, %dma_start3A_120] : memref<250x80xi32, #tpu.memory_space<vmem>> -> memref<1x80xi32, #tpu.memory_space<vmem>>
      %dma_start3A_122 = tpu.memref_squeeze %dma_start3A_121 : memref<1x80xi32, #tpu.memory_space<vmem>> -> memref<80xi32, #tpu.memory_space<vmem>>
      %dma_start3A_123 = arith.constant 0 : i32
      %dma_start3A_124 = arith.constant 0 : i32
      %dma_start3A_125 = tpu.memref_slice %arg10[%dma_start3A_123, %dma_start3A_124] : memref<10240x64xf32, #tpu.memory_space<vmem_shared>> -> memref<10240x64xf32, #tpu.memory_space<vmem_shared>>
      tpu.enqueue_indirect_dma source(%dma_start3A_119 : memref<80x64xf32, #tpu.memory_space<vmem>>) target(%dma_start3A_125 : memref<10240x64xf32, #tpu.memory_space<vmem_shared>>) offsets(%dma_start3A_122 : memref<80xi32, #tpu.memory_space<vmem>>) semaphore(%run_scoped3A_115 : memref<!tpu.dma_semaphore, #tpu.memory_space<semaphore_mem>>) {add = true}
      %dma_wait3A_126 = arith.constant 0 : i32
      %dma_wait3A_127 = arith.constant 0 : i32
      %dma_wait3A_128 = tpu.memref_slice %arg9[%run_scoped3A_104, %dma_wait3A_126, %dma_wait3A_127] : memref<2x80x64xf32, #tpu.memory_space<vmem>> -> memref<1x80x64xf32, #tpu.memory_space<vmem>>
      %dma_wait3A_129 = tpu.memref_squeeze %dma_wait3A_128 : memref<1x80x64xf32, #tpu.memory_space<vmem>> -> memref<80x64xf32, #tpu.memory_space<vmem>>
      %dma_wait3A_130 = arith.constant 0 : i32
      %dma_wait3A_131 = tpu.memref_slice %arg8[%run_scoped3A_105, %dma_wait3A_130] : memref<250x80xi32, #tpu.memory_space<vmem>> -> memref<1x80xi32, #tpu.memory_space<vmem>>
      %dma_wait3A_132 = tpu.memref_squeeze %dma_wait3A_131 : memref<1x80xi32, #tpu.memory_space<vmem>> -> memref<80xi32, #tpu.memory_space<vmem>>
      %dma_wait3A_133 = arith.constant 0 : i32
      %dma_wait3A_134 = arith.constant 0 : i32
      %dma_wait3A_135 = tpu.memref_slice %arg10[%dma_wait3A_133, %dma_wait3A_134] : memref<10240x64xf32, #tpu.memory_space<vmem_shared>> -> memref<10240x64xf32, #tpu.memory_space<vmem_shared>>
      tpu.wait_indirect_dma semaphore(%run_scoped3A_115 : memref<!tpu.dma_semaphore, #tpu.memory_space<semaphore_mem>>) src(%dma_wait3A_129 : memref<80x64xf32, #tpu.memory_space<vmem>>) dst(%dma_wait3A_135 : memref<10240x64xf32, #tpu.memory_space<vmem_shared>>)
      tpu.yield
    }) : () -> ()
    %barrier3A_106 = arith.constant 0 : index
    tpu.barrier barrier_id(%barrier3A_106)
    %mul3A_107 = arith.constant 640 : i32
    %mul3A_108 = arith.muli %arg1, %mul3A_107 : i32
    %mul3A_109 = arith.constant 2 : i32
    %mul3A_110 = arith.muli %arg0, %mul3A_109 : i32
    %add3A_111 = arith.constant 1 : i32
    %add3A_112 = arith.addi %mul3A_110, %add3A_111 : i32
    %mul3A_113 = arith.constant 640 : i32
    %mul3A_114 = arith.muli %arg1, %mul3A_113 : i32
    "tpu.region"() ({
      %run_scoped3A_115 = tpu.sem_alloc : memref<!tpu.dma_semaphore, #tpu.memory_space<semaphore_mem>>
      %dma_start3A_116 = arith.constant 0 : i32
      %dma_start3A_117 = tpu.memref_slice %arg6[%add3A_112, %mul3A_114, %dma_start3A_116] : memref<4x10240x64xf32, #tpu.memory_space<hbm>> -> memref<1x640x64xf32, #tpu.memory_space<hbm>>
      %dma_start3A_118 = tpu.memref_squeeze %dma_start3A_117 : memref<1x640x64xf32, #tpu.memory_space<hbm>> -> memref<640x64xf32, #tpu.memory_space<hbm>>
      %dma_start3A_119 = arith.constant 0 : i32
      %dma_start3A_120 = tpu.memref_slice %arg10[%mul3A_108, %dma_start3A_119] : memref<10240x64xf32, #tpu.memory_space<vmem_shared>> -> memref<640x64xf32, #tpu.memory_space<vmem_shared>>
      tpu.enqueue_dma source(%dma_start3A_120 : memref<640x64xf32, #tpu.memory_space<vmem_shared>>) target(%dma_start3A_118 : memref<640x64xf32, #tpu.memory_space<hbm>>) target_semaphore(%run_scoped3A_115 : memref<!tpu.dma_semaphore, #tpu.memory_space<semaphore_mem>>)
      %dma_wait3A_121 = arith.constant 0 : i32
      %dma_wait3A_122 = tpu.memref_slice %arg6[%add3A_112, %mul3A_114, %dma_wait3A_121] : memref<4x10240x64xf32, #tpu.memory_space<hbm>> -> memref<1x640x64xf32, #tpu.memory_space<hbm>>
      %dma_wait3A_123 = tpu.memref_squeeze %dma_wait3A_122 : memref<1x640x64xf32, #tpu.memory_space<hbm>> -> memref<640x64xf32, #tpu.memory_space<hbm>>
      %dma_wait3A_124 = arith.constant 0 : i32
      %dma_wait3A_125 = tpu.memref_slice %arg10[%mul3A_108, %dma_wait3A_124] : memref<10240x64xf32, #tpu.memory_space<vmem_shared>> -> memref<640x64xf32, #tpu.memory_space<vmem_shared>>
      tpu.wait_dma2 semaphore(%run_scoped3A_115 : memref<!tpu.dma_semaphore, #tpu.memory_space<semaphore_mem>>) src(%dma_wait3A_125 : memref<640x64xf32, #tpu.memory_space<vmem_shared>>) dst(%dma_wait3A_123 : memref<640x64xf32, #tpu.memory_space<hbm>>)
      tpu.yield
    }) : () -> ()
    return
  }
}

#map = affine_map<(d0, d1) -> (0, 0, 0, 0)>
#map1 = affine_map<(d0, d1) -> (0, 0)>
module attributes {stable_mosaic.version = 14 : i64} {
  func.func @_deg_kernel(%arg0: i32, %arg1: i32, %arg2: memref<2x16x250x80xi32, #tpu.memory_space<hbm>>, %arg3: memref<2x10240xf32, #tpu.memory_space<hbm>>, %arg4: memref<250x80xi32, #tpu.memory_space<vmem>>, %arg5: memref<80xf32, #tpu.memory_space<vmem>>, %arg6: memref<640xf32, #tpu.memory_space<vmem>>, %arg7: memref<10240xf32, #tpu.memory_space<vmem_shared>>) attributes {dimension_semantics = [#tpu.dimension_semantics<core_parallel>, #tpu.dimension_semantics<subcore_parallel>], iteration_bounds = array<i64: 2, 16>, scalar_prefetch = 0 : i64, scratch_operands = 4 : i64, tpu.core_type = #tpu.core_type<sc_vector_subcore>, window_params = [{transform_indices = #map}, {transform_indices = #map1}]} {
    %scan3A = arith.constant 0 : i32
    %scan3A_0 = arith.constant 0 : i32
    %scan3A_1 = arith.constant 5 : i32
    %scan3A_2 = arith.addi %scan3A_0, %scan3A_1 : i32
    %scan3A_3 = arith.constant 1 : i32
    scf.for %scan3A_23 = %scan3A_0 to %scan3A_2 step %scan3A_3  : i32 {
      %broadcast_in_dim3A = arith.constant 1.000000e+00 : f32
      %broadcast_in_dim3A_24 = vector.broadcast %broadcast_in_dim3A : f32 to vector<16xf32>
      %mul3A_25 = arith.constant 16 : i32
      %mul3A_26 = arith.muli %scan3A_23, %mul3A_25 : i32
      %swap3A = arith.index_cast %mul3A_26 : i32 to index
      %swap3A_27 = tpu.vector_load %arg5[%swap3A] {strides = array<i32>} : memref<80xf32, #tpu.memory_space<vmem>>, vector<16xf32>,
      %swap3A_28 = vector.shape_cast %swap3A_27 : vector<16xf32> to vector<16xf32>
      %swap3A_29 = vector.shape_cast %broadcast_in_dim3A_24 : vector<16xf32> to vector<16xf32>
      tpu.vector_store %arg5[%swap3A], %swap3A_29 {strides = array<i32>} : memref<80xf32, #tpu.memory_space<vmem>>, vector<16xf32>,
    }
    %scan3A_4 = arith.constant 5 : i32
    %scan3A_5 = arith.constant 0 : i32
    %scan3A_6 = arith.constant 0 : i32
    %scan3A_7 = arith.constant 40 : i32
    %scan3A_8 = arith.addi %scan3A_6, %scan3A_7 : i32
    %scan3A_9 = arith.constant 1 : i32
    scf.for %scan3A_23 = %scan3A_6 to %scan3A_8 step %scan3A_9  : i32 {
      %broadcast_in_dim3A = arith.constant 0.000000e+00 : f32
      %broadcast_in_dim3A_24 = vector.broadcast %broadcast_in_dim3A : f32 to vector<16xf32>
      %mul3A_25 = arith.constant 16 : i32
      %mul3A_26 = arith.muli %scan3A_23, %mul3A_25 : i32
      %swap3A = arith.index_cast %mul3A_26 : i32 to index
      %swap3A_27 = tpu.vector_load %arg6[%swap3A] {strides = array<i32>} : memref<640xf32, #tpu.memory_space<vmem>>, vector<16xf32>,
      %swap3A_28 = vector.shape_cast %swap3A_27 : vector<16xf32> to vector<16xf32>
      %swap3A_29 = vector.shape_cast %broadcast_in_dim3A_24 : vector<16xf32> to vector<16xf32>
      tpu.vector_store %arg6[%swap3A], %swap3A_29 {strides = array<i32>} : memref<640xf32, #tpu.memory_space<vmem>>, vector<16xf32>,
    }
    %scan3A_10 = arith.constant 40 : i32
    %mul3A = arith.constant 640 : i32
    %mul3A_11 = arith.muli %arg1, %mul3A : i32
    "tpu.region"() ({
      %run_scoped3A = tpu.sem_alloc : memref<!tpu.dma_semaphore, #tpu.memory_space<semaphore_mem>>
      %dma_start3A = tpu.memref_slice %arg7[%mul3A_11] : memref<10240xf32, #tpu.memory_space<vmem_shared>> -> memref<640xf32, #tpu.memory_space<vmem_shared>>
      %dma_start3A_23 = tpu.memref_slice %arg7[%mul3A_11] : memref<10240xf32, #tpu.memory_space<vmem_shared>> -> memref<640xf32, #tpu.memory_space<vmem_shared>>
      tpu.enqueue_dma source(%arg6 : memref<640xf32, #tpu.memory_space<vmem>>) target(%dma_start3A_23 : memref<640xf32, #tpu.memory_space<vmem_shared>>) target_semaphore(%run_scoped3A : memref<!tpu.dma_semaphore, #tpu.memory_space<semaphore_mem>>)
      %dma_wait3A = tpu.memref_slice %arg7[%mul3A_11] : memref<10240xf32, #tpu.memory_space<vmem_shared>> -> memref<640xf32, #tpu.memory_space<vmem_shared>>
      %dma_wait3A_24 = tpu.memref_slice %arg7[%mul3A_11] : memref<10240xf32, #tpu.memory_space<vmem_shared>> -> memref<640xf32, #tpu.memory_space<vmem_shared>>
      tpu.wait_dma2 semaphore(%run_scoped3A : memref<!tpu.dma_semaphore, #tpu.memory_space<semaphore_mem>>) src(%arg6 : memref<640xf32, #tpu.memory_space<vmem>>) dst(%dma_wait3A_24 : memref<640xf32, #tpu.memory_space<vmem_shared>>)
      tpu.yield
    }) : () -> ()
    "tpu.region"() ({
      %run_scoped3A = tpu.sem_alloc : memref<!tpu.dma_semaphore, #tpu.memory_space<semaphore_mem>>
      %dma_start3A = arith.constant 0 : i32
      %dma_start3A_23 = arith.constant 0 : i32
      %dma_start3A_24 = tpu.memref_slice %arg2[%arg0, %arg1, %dma_start3A, %dma_start3A_23] : memref<2x16x250x80xi32, #tpu.memory_space<hbm>> -> memref<1x1x250x80xi32, #tpu.memory_space<hbm>>
      %dma_start3A_25 = tpu.memref_squeeze %dma_start3A_24 : memref<1x1x250x80xi32, #tpu.memory_space<hbm>> -> memref<250x80xi32, #tpu.memory_space<hbm>>
      %dma_start3A_26 = arith.constant 0 : i32
      %dma_start3A_27 = arith.constant 0 : i32
      %dma_start3A_28 = tpu.memref_slice %arg2[%arg0, %arg1, %dma_start3A_26, %dma_start3A_27] : memref<2x16x250x80xi32, #tpu.memory_space<hbm>> -> memref<1x1x250x80xi32, #tpu.memory_space<hbm>>
      %dma_start3A_29 = tpu.memref_squeeze %dma_start3A_28 : memref<1x1x250x80xi32, #tpu.memory_space<hbm>> -> memref<250x80xi32, #tpu.memory_space<hbm>>
      tpu.enqueue_dma source(%dma_start3A_29 : memref<250x80xi32, #tpu.memory_space<hbm>>) target(%arg4 : memref<250x80xi32, #tpu.memory_space<vmem>>) target_semaphore(%run_scoped3A : memref<!tpu.dma_semaphore, #tpu.memory_space<semaphore_mem>>)
      %dma_wait3A = arith.constant 0 : i32
      %dma_wait3A_30 = arith.constant 0 : i32
      %dma_wait3A_31 = tpu.memref_slice %arg2[%arg0, %arg1, %dma_wait3A, %dma_wait3A_30] : memref<2x16x250x80xi32, #tpu.memory_space<hbm>> -> memref<1x1x250x80xi32, #tpu.memory_space<hbm>>
      %dma_wait3A_32 = tpu.memref_squeeze %dma_wait3A_31 : memref<1x1x250x80xi32, #tpu.memory_space<hbm>> -> memref<250x80xi32, #tpu.memory_space<hbm>>
      %dma_wait3A_33 = arith.constant 0 : i32
      %dma_wait3A_34 = arith.constant 0 : i32
      %dma_wait3A_35 = tpu.memref_slice %arg2[%arg0, %arg1, %dma_wait3A_33, %dma_wait3A_34] : memref<2x16x250x80xi32, #tpu.memory_space<hbm>> -> memref<1x1x250x80xi32, #tpu.memory_space<hbm>>
      %dma_wait3A_36 = tpu.memref_squeeze %dma_wait3A_35 : memref<1x1x250x80xi32, #tpu.memory_space<hbm>> -> memref<250x80xi32, #tpu.memory_space<hbm>>
      tpu.wait_dma2 semaphore(%run_scoped3A : memref<!tpu.dma_semaphore, #tpu.memory_space<semaphore_mem>>) src(%dma_wait3A_36 : memref<250x80xi32, #tpu.memory_space<hbm>>) dst(%arg4 : memref<250x80xi32, #tpu.memory_space<vmem>>)
      tpu.yield
    }) : () -> ()
    %barrier3A = arith.constant 0 : index
    tpu.barrier barrier_id(%barrier3A)
    %scan3A_12 = arith.constant 0 : i32
    %scan3A_13 = arith.constant 0 : i32
    %scan3A_14 = arith.constant 250 : i32
    %scan3A_15 = arith.addi %scan3A_13, %scan3A_14 : i32
    %scan3A_16 = arith.constant 1 : i32
    scf.for %scan3A_23 = %scan3A_13 to %scan3A_15 step %scan3A_16  : i32 {
      "tpu.region"() ({
        %run_scoped3A = tpu.sem_alloc : memref<!tpu.dma_semaphore, #tpu.memory_space<semaphore_mem>>
        %dma_start3A = arith.constant 0 : i32
        %dma_start3A_24 = tpu.memref_slice %arg4[%scan3A_23, %dma_start3A] : memref<250x80xi32, #tpu.memory_space<vmem>> -> memref<1x80xi32, #tpu.memory_space<vmem>>
        %dma_start3A_25 = tpu.memref_squeeze %dma_start3A_24 : memref<1x80xi32, #tpu.memory_space<vmem>> -> memref<80xi32, #tpu.memory_space<vmem>>
        %dma_start3A_26 = arith.constant 0 : i32
        %dma_start3A_27 = tpu.memref_slice %arg7[%dma_start3A_26] : memref<10240xf32, #tpu.memory_space<vmem_shared>> -> memref<10240xf32, #tpu.memory_space<vmem_shared>>
        tpu.enqueue_indirect_dma source(%arg5 : memref<80xf32, #tpu.memory_space<vmem>>) target(%dma_start3A_27 : memref<10240xf32, #tpu.memory_space<vmem_shared>>) offsets(%dma_start3A_25 : memref<80xi32, #tpu.memory_space<vmem>>) semaphore(%run_scoped3A : memref<!tpu.dma_semaphore, #tpu.memory_space<semaphore_mem>>) {add = true}
        %dma_wait3A = arith.constant 0 : i32
        %dma_wait3A_28 = tpu.memref_slice %arg4[%scan3A_23, %dma_wait3A] : memref<250x80xi32, #tpu.memory_space<vmem>> -> memref<1x80xi32, #tpu.memory_space<vmem>>
        %dma_wait3A_29 = tpu.memref_squeeze %dma_wait3A_28 : memref<1x80xi32, #tpu.memory_space<vmem>> -> memref<80xi32, #tpu.memory_space<vmem>>
        %dma_wait3A_30 = arith.constant 0 : i32
        %dma_wait3A_31 = tpu.memref_slice %arg7[%dma_wait3A_30] : memref<10240xf32, #tpu.memory_space<vmem_shared>> -> memref<10240xf32, #tpu.memory_space<vmem_shared>>
        tpu.wait_indirect_dma semaphore(%run_scoped3A : memref<!tpu.dma_semaphore, #tpu.memory_space<semaphore_mem>>) src(%arg5 : memref<80xf32, #tpu.memory_space<vmem>>) dst(%dma_wait3A_31 : memref<10240xf32, #tpu.memory_space<vmem_shared>>)
        tpu.yield
      }) : () -> ()
    }
    %scan3A_17 = arith.constant 250 : i32
    %barrier3A_18 = arith.constant 0 : index
    tpu.barrier barrier_id(%barrier3A_18)
    %mul3A_19 = arith.constant 640 : i32
    %mul3A_20 = arith.muli %arg1, %mul3A_19 : i32
    %mul3A_21 = arith.constant 640 : i32
    %mul3A_22 = arith.muli %arg1, %mul3A_21 : i32
    "tpu.region"() ({
      %run_scoped3A = tpu.sem_alloc : memref<!tpu.dma_semaphore, #tpu.memory_space<semaphore_mem>>
      %dma_start3A = tpu.memref_slice %arg3[%arg0, %mul3A_22] : memref<2x10240xf32, #tpu.memory_space<hbm>> -> memref<1x640xf32, #tpu.memory_space<hbm>>
      %dma_start3A_23 = tpu.memref_squeeze %dma_start3A : memref<1x640xf32, #tpu.memory_space<hbm>> -> memref<640xf32, #tpu.memory_space<hbm>>
      %dma_start3A_24 = tpu.memref_slice %arg7[%mul3A_20] : memref<10240xf32, #tpu.memory_space<vmem_shared>> -> memref<640xf32, #tpu.memory_space<vmem_shared>>
      tpu.enqueue_dma source(%dma_start3A_24 : memref<640xf32, #tpu.memory_space<vmem_shared>>) target(%dma_start3A_23 : memref<640xf32, #tpu.memory_space<hbm>>) target_semaphore(%run_scoped3A : memref<!tpu.dma_semaphore, #tpu.memory_space<semaphore_mem>>)
      %dma_wait3A = tpu.memref_slice %arg3[%arg0, %mul3A_22] : memref<2x10240xf32, #tpu.memory_space<hbm>> -> memref<1x640xf32, #tpu.memory_space<hbm>>
      %dma_wait3A_25 = tpu.memref_squeeze %dma_wait3A : memref<1x640xf32, #tpu.memory_space<hbm>> -> memref<640xf32, #tpu.memory_space<hbm>>
      %dma_wait3A_26 = tpu.memref_slice %arg7[%mul3A_20] : memref<10240xf32, #tpu.memory_space<vmem_shared>> -> memref<640xf32, #tpu.memory_space<vmem_shared>>
      tpu.wait_dma2 semaphore(%run_scoped3A : memref<!tpu.dma_semaphore, #tpu.memory_space<semaphore_mem>>) src(%dma_wait3A_26 : memref<640xf32, #tpu.memory_space<vmem_shared>>) dst(%dma_wait3A_25 : memref<640xf32, #tpu.memory_space<hbm>>)
      tpu.yield
    }) : () -> ()
    return
  }
}

module attributes {stable_mosaic.version = 14 : i64} {
  func.func @_mm_body(%arg0: i32, %arg1: memref<2000x128xf32, #tpu.memory_space<vmem>>, %arg2: memref<128x256xf32, #tpu.memory_space<vmem>>, %arg3: memref<2000x1xf32, #tpu.memory_space<vmem>>, %arg4: memref<4x2000x64xf32, #tpu.memory_space<vmem>>) attributes {dimension_semantics = [#tpu.dimension_semantics<arbitrary>], iteration_bounds = array<i64: 5>, scalar_prefetch = 0 : i64, scratch_operands = 0 : i64, tpu.core_type = #tpu.core_type<tc>, window_params = [{transform_indices = @transform_0, window_bounds = array<i64: 2000, 128>}, {pipeline_mode = #tpu.pipeline_mode<synchronous>, transform_indices = @transform_1, window_bounds = array<i64: 128, 256>}, {transform_indices = @transform_2, window_bounds = array<i64: 2000, 1>}, {transform_indices = @transform_3, window_bounds = array<i64: 4, 2000, 64>}]} {
    %get3A = arith.constant 0 : index
    %get3A_0 = arith.constant 0 : index
    %get3A_1 = vector.load %arg3[%get3A, %get3A_0] : memref<2000x1xf32, #tpu.memory_space<vmem>>, vector<2000x1xf32>
    %gt3A = arith.constant 0.000000e+00 : f32
    %gt3A_2 = vector.broadcast %gt3A : f32 to vector<2000x1xf32>
    %gt3A_3 = arith.cmpf ogt, %get3A_1, %gt3A_2 : vector<2000x1xf32>
    %jit3A = arith.constant 1.000000e+00 : f32
    %broadcast_in_dim3A = vector.broadcast %jit3A : f32 to vector<2000x1xf32>
    %select_n3A = arith.select %gt3A_3, %get3A_1, %broadcast_in_dim3A : vector<2000x1xi1>, vector<2000x1xf32>
    %rsqrt3A = math.rsqrt %select_n3A : vector<2000x1xf32>
    %get3A_4 = arith.constant 0 : index
    %get3A_5 = arith.constant 0 : index
    %get3A_6 = vector.load %arg1[%get3A_4, %get3A_5] : memref<2000x128xf32, #tpu.memory_space<vmem>>, vector<2000x128xf32>
    %get3A_7 = arith.constant 0 : index
    %get3A_8 = arith.constant 0 : index
    %get3A_9 = vector.load %arg2[%get3A_7, %get3A_8] : memref<128x256xf32, #tpu.memory_space<vmem>>, vector<128x256xf32>
    %dot_general3A = arith.constant dense<0.000000e+00> : vector<2000x256xf32>
    %dot_general3A_10 = tpu.matmul %get3A_6, %get3A_9, %dot_general3A {dimension_numbers = #tpu.dot_dimension_numbers<[1], [0], [0], [1], [0, 0, 1, 1], [], []>, transpose_lhs_hint = false} : vector<2000x128xf32>, vector<128x256xf32>, vector<2000x256xf32> -> vector<2000x256xf32>
    %mul3A = vector.broadcast %rsqrt3A : vector<2000x1xf32> to vector<2000x256xf32>
    %mul3A_11 = arith.mulf %dot_general3A_10, %mul3A : vector<2000x256xf32>
    %slice3A = vector.extract_strided_slice %mul3A_11 {offsets = [0, 0], sizes = [2000, 64], strides = [1, 1]} : vector<2000x256xf32> to vector<2000x64xf32>
    %swap3A = arith.constant 0 : index
    %swap3A_12 = arith.constant 0 : index
    %swap3A_13 = arith.constant 0 : index
    %swap3A_14 = vector.load %arg4[%swap3A, %swap3A_12, %swap3A_13] : memref<4x2000x64xf32, #tpu.memory_space<vmem>>, vector<1x2000x64xf32>
    %swap3A_15 = vector.shape_cast %swap3A_14 : vector<1x2000x64xf32> to vector<2000x64xf32>
    %swap3A_16 = vector.shape_cast %slice3A : vector<2000x64xf32> to vector<1x2000x64xf32>
    tpu.vector_store %arg4[%swap3A, %swap3A_12, %swap3A_13], %swap3A_16 {strides = array<i32>} : memref<4x2000x64xf32, #tpu.memory_space<vmem>>, vector<1x2000x64xf32>,
    %slice3A_17 = vector.extract_strided_slice %mul3A_11 {offsets = [0, 64], sizes = [2000, 64], strides = [1, 1]} : vector<2000x256xf32> to vector<2000x64xf32>
    %swap3A_18 = arith.constant 1 : index
    %swap3A_19 = arith.constant 0 : index
    %swap3A_20 = arith.constant 0 : index
    %swap3A_21 = vector.load %arg4[%swap3A_18, %swap3A_19, %swap3A_20] : memref<4x2000x64xf32, #tpu.memory_space<vmem>>, vector<1x2000x64xf32>
    %swap3A_22 = vector.shape_cast %swap3A_21 : vector<1x2000x64xf32> to vector<2000x64xf32>
    %swap3A_23 = vector.shape_cast %slice3A_17 : vector<2000x64xf32> to vector<1x2000x64xf32>
    tpu.vector_store %arg4[%swap3A_18, %swap3A_19, %swap3A_20], %swap3A_23 {strides = array<i32>} : memref<4x2000x64xf32, #tpu.memory_space<vmem>>, vector<1x2000x64xf32>,
    %slice3A_24 = vector.extract_strided_slice %mul3A_11 {offsets = [0, 128], sizes = [2000, 64], strides = [1, 1]} : vector<2000x256xf32> to vector<2000x64xf32>
    %swap3A_25 = arith.constant 2 : index
    %swap3A_26 = arith.constant 0 : index
    %swap3A_27 = arith.constant 0 : index
    %swap3A_28 = vector.load %arg4[%swap3A_25, %swap3A_26, %swap3A_27] : memref<4x2000x64xf32, #tpu.memory_space<vmem>>, vector<1x2000x64xf32>
    %swap3A_29 = vector.shape_cast %swap3A_28 : vector<1x2000x64xf32> to vector<2000x64xf32>
    %swap3A_30 = vector.shape_cast %slice3A_24 : vector<2000x64xf32> to vector<1x2000x64xf32>
    tpu.vector_store %arg4[%swap3A_25, %swap3A_26, %swap3A_27], %swap3A_30 {strides = array<i32>} : memref<4x2000x64xf32, #tpu.memory_space<vmem>>, vector<1x2000x64xf32>,
    %slice3A_31 = vector.extract_strided_slice %mul3A_11 {offsets = [0, 192], sizes = [2000, 64], strides = [1, 1]} : vector<2000x256xf32> to vector<2000x64xf32>
    %swap3A_32 = arith.constant 3 : index
    %swap3A_33 = arith.constant 0 : index
    %swap3A_34 = arith.constant 0 : index
    %swap3A_35 = vector.load %arg4[%swap3A_32, %swap3A_33, %swap3A_34] : memref<4x2000x64xf32, #tpu.memory_space<vmem>>, vector<1x2000x64xf32>
    %swap3A_36 = vector.shape_cast %swap3A_35 : vector<1x2000x64xf32> to vector<2000x64xf32>
    %swap3A_37 = vector.shape_cast %slice3A_31 : vector<2000x64xf32> to vector<1x2000x64xf32>
    tpu.vector_store %arg4[%swap3A_32, %swap3A_33, %swap3A_34], %swap3A_37 {strides = array<i32>} : memref<4x2000x64xf32, #tpu.memory_space<vmem>>, vector<1x2000x64xf32>,
    return
  }
  func.func @transform_0(%arg0: i32) -> (i32, i32) {
    %c0_i32 = arith.constant 0 : i32
    %c0_i32_0 = arith.constant 0 : i32
    return %arg0, %c0_i32 : i32, i32
  }
  func.func @transform_1(%arg0: i32) -> (i32, i32) {
    %c0_i32 = arith.constant 0 : i32
    %c0_i32_0 = arith.constant 0 : i32
    %c0_i32_1 = arith.constant 0 : i32
    return %c0_i32, %c0_i32_0 : i32, i32
  }
  func.func @transform_2(%arg0: i32) -> (i32, i32) {
    %c0_i32 = arith.constant 0 : i32
    %c0_i32_0 = arith.constant 0 : i32
    return %arg0, %c0_i32 : i32, i32
  }
  func.func @transform_3(%arg0: i32) -> (i32, i32, i32) {
    %c0_i32 = arith.constant 0 : i32
    %c0_i32_0 = arith.constant 0 : i32
    %c0_i32_1 = arith.constant 0 : i32
    return %c0_i32, %arg0, %c0_i32_0 : i32, i32, i32
  }
}

module attributes {stable_mosaic.version = 14 : i64} {
  func.func @_scale_body(%arg0: i32, %arg1: memref<4x2048x64xf32, #tpu.memory_space<vmem>>, %arg2: memref<2048x1xf32, #tpu.memory_space<vmem>>, %arg3: memref<2048x1xf32, #tpu.memory_space<vmem>>, %arg4: memref<4x2048x64xf32, #tpu.memory_space<vmem>>) attributes {dimension_semantics = [#tpu.dimension_semantics<arbitrary>], iteration_bounds = array<i64: 5>, scalar_prefetch = 0 : i64, scratch_operands = 0 : i64, tpu.core_type = #tpu.core_type<tc>, window_params = [{transform_indices = @transform_0, window_bounds = array<i64: 4, 2048, 64>}, {transform_indices = @transform_1, window_bounds = array<i64: 2048, 1>}, {transform_indices = @transform_2, window_bounds = array<i64: 2048, 1>}, {transform_indices = @transform_3, window_bounds = array<i64: 4, 2048, 64>}]} {
    %get3A = arith.constant 0 : index
    %get3A_0 = arith.constant 0 : index
    %get3A_1 = vector.load %arg2[%get3A, %get3A_0] : memref<2048x1xf32, #tpu.memory_space<vmem>>, vector<2048x1xf32>
    %gt3A = arith.constant 0.000000e+00 : f32
    %gt3A_2 = vector.broadcast %gt3A : f32 to vector<2048x1xf32>
    %gt3A_3 = arith.cmpf ogt, %get3A_1, %gt3A_2 : vector<2048x1xf32>
    %jit3A = arith.constant 1.000000e+00 : f32
    %broadcast_in_dim3A = vector.broadcast %jit3A : f32 to vector<2048x1xf32>
    %select_n3A = arith.select %gt3A_3, %get3A_1, %broadcast_in_dim3A : vector<2048x1xi1>, vector<2048x1xf32>
    %rsqrt3A = math.rsqrt %select_n3A : vector<2048x1xf32>
    %get3A_4 = arith.constant 0 : index
    %get3A_5 = arith.constant 0 : index
    %get3A_6 = vector.load %arg3[%get3A_4, %get3A_5] : memref<2048x1xf32, #tpu.memory_space<vmem>>, vector<2048x1xf32>
    %gt3A_7 = arith.constant 0.000000e+00 : f32
    %gt3A_8 = vector.broadcast %gt3A_7 : f32 to vector<2048x1xf32>
    %gt3A_9 = arith.cmpf ogt, %get3A_6, %gt3A_8 : vector<2048x1xf32>
    %jit3A_10 = arith.constant 1.000000e+00 : f32
    %broadcast_in_dim3A_11 = vector.broadcast %jit3A_10 : f32 to vector<2048x1xf32>
    %select_n3A_12 = arith.select %gt3A_9, %get3A_6, %broadcast_in_dim3A_11 : vector<2048x1xi1>, vector<2048x1xf32>
    %rsqrt3A_13 = math.rsqrt %select_n3A_12 : vector<2048x1xf32>
    %mul3A = arith.mulf %rsqrt3A, %rsqrt3A_13 : vector<2048x1xf32>
    %get3A_14 = arith.constant 0 : index
    %get3A_15 = arith.constant 0 : index
    %get3A_16 = arith.constant 0 : index
    %get3A_17 = vector.load %arg1[%get3A_14, %get3A_15, %get3A_16] : memref<4x2048x64xf32, #tpu.memory_space<vmem>>, vector<4x2048x64xf32>
    %broadcast_in_dim3A_18 = vector.shape_cast %mul3A : vector<2048x1xf32> to vector<1x2048x1xf32>
    %mul3A_19 = vector.broadcast %broadcast_in_dim3A_18 : vector<1x2048x1xf32> to vector<4x2048x64xf32>
    %mul3A_20 = arith.mulf %get3A_17, %mul3A_19 : vector<4x2048x64xf32>
    %swap3A = arith.constant 0 : index
    %swap3A_21 = arith.constant 0 : index
    %swap3A_22 = arith.constant 0 : index
    %swap3A_23 = vector.load %arg4[%swap3A, %swap3A_21, %swap3A_22] : memref<4x2048x64xf32, #tpu.memory_space<vmem>>, vector<4x2048x64xf32>
    tpu.vector_store %arg4[%swap3A, %swap3A_21, %swap3A_22], %mul3A_20 {strides = array<i32>} : memref<4x2048x64xf32, #tpu.memory_space<vmem>>, vector<4x2048x64xf32>,
    return
  }
  func.func @transform_0(%arg0: i32) -> (i32, i32, i32) {
    %c0_i32 = arith.constant 0 : i32
    %c0_i32_0 = arith.constant 0 : i32
    %c0_i32_1 = arith.constant 0 : i32
    return %c0_i32, %arg0, %c0_i32_0 : i32, i32, i32
  }
  func.func @transform_1(%arg0: i32) -> (i32, i32) {
    %c0_i32 = arith.constant 0 : i32
    %c0_i32_0 = arith.constant 0 : i32
    return %arg0, %c0_i32 : i32, i32
  }
  func.func @transform_2(%arg0: i32) -> (i32, i32) {
    %c0_i32 = arith.constant 0 : i32
    %c0_i32_0 = arith.constant 0 : i32
    return %arg0, %c0_i32 : i32, i32
  }
  func.func @transform_3(%arg0: i32) -> (i32, i32, i32) {
    %c0_i32 = arith.constant 0 : i32
    %c0_i32_0 = arith.constant 0 : i32
    %c0_i32_1 = arith.constant 0 : i32
    return %c0_i32, %arg0, %c0_i32_0 : i32, i32, i32
  }
}

module attributes {stable_mosaic.version = 14 : i64} {
  func.func @_final_body(%arg0: i32, %arg1: memref<2xf32, #tpu.memory_space<smem>>, %arg2: memref<4x2000x64xf32, #tpu.memory_space<vmem>>, %arg3: memref<4x2000x64xf32, #tpu.memory_space<vmem>>, %arg4: memref<2000x1xf32, #tpu.memory_space<vmem>>, %arg5: memref<2000x256xf32, #tpu.memory_space<vmem>>) attributes {dimension_semantics = [#tpu.dimension_semantics<arbitrary>], iteration_bounds = array<i64: 5>, scalar_prefetch = 0 : i64, scratch_operands = 0 : i64, tpu.core_type = #tpu.core_type<tc>, window_params = [{transform_indices = @transform_0, window_bounds = array<i64: 2>}, {transform_indices = @transform_1, window_bounds = array<i64: 4, 2000, 64>}, {transform_indices = @transform_2, window_bounds = array<i64: 4, 2000, 64>}, {transform_indices = @transform_3, window_bounds = array<i64: 2000, 1>}, {transform_indices = @transform_4, window_bounds = array<i64: 2000, 256>}]} {
    %get3A = arith.constant 0 : index
    %get3A_0 = arith.constant 0 : index
    %get3A_1 = vector.load %arg4[%get3A, %get3A_0] : memref<2000x1xf32, #tpu.memory_space<vmem>>, vector<2000x1xf32>
    %gt3A = arith.constant 0.000000e+00 : f32
    %gt3A_2 = vector.broadcast %gt3A : f32 to vector<2000x1xf32>
    %gt3A_3 = arith.cmpf ogt, %get3A_1, %gt3A_2 : vector<2000x1xf32>
    %jit3A = arith.constant 1.000000e+00 : f32
    %broadcast_in_dim3A = vector.broadcast %jit3A : f32 to vector<2000x1xf32>
    %select_n3A = arith.select %gt3A_3, %get3A_1, %broadcast_in_dim3A : vector<2000x1xi1>, vector<2000x1xf32>
    %rsqrt3A = math.rsqrt %select_n3A : vector<2000x1xf32>
    %get3A_4 = arith.constant 0 : index
    %get3A_5 = memref.load %arg1[%get3A_4] : memref<2xf32, #tpu.memory_space<smem>>
    %get3A_6 = arith.constant 0 : index
    %get3A_7 = arith.constant 0 : index
    %get3A_8 = arith.constant 0 : index
    %get3A_9 = vector.load %arg2[%get3A_6, %get3A_7, %get3A_8] : memref<4x2000x64xf32, #tpu.memory_space<vmem>>, vector<4x2000x64xf32>
    %mul3A = vector.broadcast %get3A_5 : f32 to vector<4x2000x64xf32>
    %mul3A_10 = arith.mulf %mul3A, %get3A_9 : vector<4x2000x64xf32>
    %get3A_11 = arith.constant 1 : index
    %get3A_12 = memref.load %arg1[%get3A_11] : memref<2xf32, #tpu.memory_space<smem>>
    %get3A_13 = arith.constant 0 : index
    %get3A_14 = arith.constant 0 : index
    %get3A_15 = arith.constant 0 : index
    %get3A_16 = vector.load %arg3[%get3A_13, %get3A_14, %get3A_15] : memref<4x2000x64xf32, #tpu.memory_space<vmem>>, vector<4x2000x64xf32>
    %mul3A_17 = vector.broadcast %get3A_12 : f32 to vector<4x2000x64xf32>
    %mul3A_18 = arith.mulf %mul3A_17, %get3A_16 : vector<4x2000x64xf32>
    %add3A = arith.addf %mul3A_10, %mul3A_18 : vector<4x2000x64xf32>
    %broadcast_in_dim3A_19 = vector.shape_cast %rsqrt3A : vector<2000x1xf32> to vector<1x2000x1xf32>
    %mul3A_20 = vector.broadcast %broadcast_in_dim3A_19 : vector<1x2000x1xf32> to vector<4x2000x64xf32>
    %mul3A_21 = arith.mulf %add3A, %mul3A_20 : vector<4x2000x64xf32>
    %slice3A = vector.extract_strided_slice %mul3A_21 {offsets = [0, 0, 0], sizes = [1, 2000, 64], strides = [1, 1, 1]} : vector<4x2000x64xf32> to vector<1x2000x64xf32>
    %squeeze3A = vector.shape_cast %slice3A : vector<1x2000x64xf32> to vector<2000x64xf32>
    %swap3A = arith.constant 0 : index
    %swap3A_22 = arith.constant 0 : index
    %swap3A_23 = vector.load %arg5[%swap3A, %swap3A_22] : memref<2000x256xf32, #tpu.memory_space<vmem>>, vector<2000x64xf32>
    tpu.vector_store %arg5[%swap3A, %swap3A_22], %squeeze3A {strides = array<i32>} : memref<2000x256xf32, #tpu.memory_space<vmem>>, vector<2000x64xf32>,
    %slice3A_24 = vector.extract_strided_slice %mul3A_21 {offsets = [1, 0, 0], sizes = [1, 2000, 64], strides = [1, 1, 1]} : vector<4x2000x64xf32> to vector<1x2000x64xf32>
    %squeeze3A_25 = vector.shape_cast %slice3A_24 : vector<1x2000x64xf32> to vector<2000x64xf32>
    %swap3A_26 = arith.constant 0 : index
    %swap3A_27 = arith.constant 64 : index
    %swap3A_28 = vector.load %arg5[%swap3A_26, %swap3A_27] : memref<2000x256xf32, #tpu.memory_space<vmem>>, vector<2000x64xf32>
    tpu.vector_store %arg5[%swap3A_26, %swap3A_27], %squeeze3A_25 {strides = array<i32>} : memref<2000x256xf32, #tpu.memory_space<vmem>>, vector<2000x64xf32>,
    %slice3A_29 = vector.extract_strided_slice %mul3A_21 {offsets = [2, 0, 0], sizes = [1, 2000, 64], strides = [1, 1, 1]} : vector<4x2000x64xf32> to vector<1x2000x64xf32>
    %squeeze3A_30 = vector.shape_cast %slice3A_29 : vector<1x2000x64xf32> to vector<2000x64xf32>
    %swap3A_31 = arith.constant 0 : index
    %swap3A_32 = arith.constant 128 : index
    %swap3A_33 = vector.load %arg5[%swap3A_31, %swap3A_32] : memref<2000x256xf32, #tpu.memory_space<vmem>>, vector<2000x64xf32>
    tpu.vector_store %arg5[%swap3A_31, %swap3A_32], %squeeze3A_30 {strides = array<i32>} : memref<2000x256xf32, #tpu.memory_space<vmem>>, vector<2000x64xf32>,
    %slice3A_34 = vector.extract_strided_slice %mul3A_21 {offsets = [3, 0, 0], sizes = [1, 2000, 64], strides = [1, 1, 1]} : vector<4x2000x64xf32> to vector<1x2000x64xf32>
    %squeeze3A_35 = vector.shape_cast %slice3A_34 : vector<1x2000x64xf32> to vector<2000x64xf32>
    %swap3A_36 = arith.constant 0 : index
    %swap3A_37 = arith.constant 192 : index
    %swap3A_38 = vector.load %arg5[%swap3A_36, %swap3A_37] : memref<2000x256xf32, #tpu.memory_space<vmem>>, vector<2000x64xf32>
    tpu.vector_store %arg5[%swap3A_36, %swap3A_37], %squeeze3A_35 {strides = array<i32>} : memref<2000x256xf32, #tpu.memory_space<vmem>>, vector<2000x64xf32>,
    return
  }
  func.func @transform_0(%arg0: i32) -> i32 {
    %c0_i32 = arith.constant 0 : i32
    %c0_i32_0 = arith.constant 0 : i32
    return %c0_i32 : i32
  }
  func.func @transform_1(%arg0: i32) -> (i32, i32, i32) {
    %c0_i32 = arith.constant 0 : i32
    %c0_i32_0 = arith.constant 0 : i32
    %c0_i32_1 = arith.constant 0 : i32
    return %c0_i32, %arg0, %c0_i32_0 : i32, i32, i32
  }
  func.func @transform_2(%arg0: i32) -> (i32, i32, i32) {
    %c0_i32 = arith.constant 0 : i32
    %c0_i32_0 = arith.constant 0 : i32
    %c0_i32_1 = arith.constant 0 : i32
    return %c0_i32, %arg0, %c0_i32_0 : i32, i32, i32
  }
  func.func @transform_3(%arg0: i32) -> (i32, i32) {
    %c0_i32 = arith.constant 0 : i32
    %c0_i32_0 = arith.constant 0 : i32
    return %arg0, %c0_i32 : i32, i32
  }
  func.func @transform_4(%arg0: i32) -> (i32, i32) {
    %c0_i32 = arith.constant 0 : i32
    %c0_i32_0 = arith.constant 0 : i32
    return %arg0, %c0_i32 : i32, i32
  }
}

</mosaic_0001>

<sc_bundles>
// kernel: kernel.11.cloned.1.call-start
scs
__scs_entry_jumppad:
0x0: {  	(pc) =	sbr.rel $0x88, $3  }
0x1: {  	(tag) =	ssettag $0x0;
	lr =	simm.s32 $0x1  }
0x2: {  	[smem:$0x3F9D] =	sst lr;
	_ =	strace $0xD0000000  }
0x3: {  	_ = 	snop  }
0x4: {  	_ = 	snop  }
0x5: {  	_ = 	snop  }
0x6: {  	_ = 	snop  }
0x7: {  	_ = 	snop  }
__scs_overlays_trampoline_lowered:
0x8: {  	[smem:$0x3FAC] =	sst s0  }
0x9: {  	[smem:$0x3FAD] =	sst s1  }
0xa: {  	[smem:$0x3FAE] =	sst s2  }
0xb: {  	[smem:$0x3FAF] =	sst s3  }
0xc: {  	[smem:$0x3FB0] =	sst s4  }
0xd: {  	[smem:$0x3FB1] =	sst s5  }
0xe: {  	[smem:$0x3FB2] =	sst s6  }
0xf: {  	[smem:$0x3FB3] =	sst s7  }
0x10: {  	[smem:$0x3FB4] =	sst s8  }
0x11: {  	[smem:$0x3FB5] =	sst s9;
	s0 =	simm.s32 @!p0 $0x0  }
0x12: {  	s1 =	sld [smem:$0x3F9B];
	s0 =	simm.s32 @p0 $0x1  }
0x13: {  	[smem:$0x3FB6] =	sst s0;
	s0 =	simm.s32 @!p1 $0x0  }
0x14: {  	s2 =	sld [smem:$0x3F9A];
	s0 =	simm.s32 @p1 $0x1  }
0x15: {  	[smem:$0x3FB7] =	sst s0;
	s0 =	simm.s32 @!p2 $0x0  }
0x16: {  	s3 =	sld [smem:$0x3FDB];
	s0 =	simm.s32 @p2 $0x1  }
0x17: {  	s4 =	simm.s32 $0x1BF5;
	[smem:$0x3FB9] =	sst s0  }
0x18: {  	s0 =	sld [smem:$0x3F9C];
	_ =	swait.ge [sflag:s4], $0x0  }
0x19: {  	s7 =	sld [smem:$0x3F9D]  }
0x1a: {  	s8 =	sadd.s32 $0xFFFFE003, lr  }
0x1b: {  	s9 =	sadd.s32 $0xFFFFFEF7, lr;
	s5 =	simm.s32 $0xFFFFFFFF;
	p2 =	slt.u32 s8, $0xFFFFF086  }
0x1c: {  	p1 =	slt.u32 s9, $0xF7A;
	s5 =	simm.s32 @!p2 $0x0  }
0x1d: {  	s5 =	simm.s32 @p1 $0x1;
	p0 =	seq.s32 s7, s2  }
0x1e: {  	s7 =	smul.u32 @!p0 $0xF7A, s2;
	p2 =	seq.s32 @!p0 s5, $0x0  }
0x1f: {  	s9 =	smul.u32 $0xF7A, s1;
	s8 =	simm.s32 @!p0 $0x1BF5;
	p2 =	por !p2, p0  }
0x20: {  	[sflag:s8] =	ssyncset.s32 @!p0 $0xFFFFF086;
	s6 =	sadd.s32 @!p0 s3, s7;
	s7 =	simm.s32 @!p0 $0x108  }
0x21: {  	s3 =	sadd.s32 s3, s9;
	s6 =	sadd.s32 @!p0 $0x88, s6;
	s7 =	simm.s32 @p2 $0x1082  }
0x22: {  	[simem:s7], [sflag:s8] =	dma.local @!p0 [hbm:s6], $0xF7A  }
0x23: {  	s9 =	sor.u32 $0xD0000000, s2;
	s6 =	simm.s32 $0x108;
	_ =	swait.ge @!p0 [sflag:s8], $0x0  }
0x24: {  	s3 =	sadd.s32 $0x88, s3;
	s6 =	simm.s32 @!p1 $0x1082;
	[sflag:s4] =	ssyncset.s32 $0xFFFFF086  }
0x25: {  	[simem:s6], [sflag:s4] =	dma.local [hbm:s3], $0xF7A  }
0x26: {  	[smem:$0x3F9D] =	sst s1;
	(tag) =	ssettag s2;
	_ =	strace s9  }
0x27: {  	s1 =	sld [smem:$0x3FAD]  }
0x28: {  	s2 =	sld [smem:$0x3FAE]  }
0x29: {  	s4 =	sld [smem:$0x3FB0]  }
0x2a: {  	p0 =	seq.s32 s5, $0x0;
	s5 =	sld [smem:$0x3FB1]  }
0x2b: {  	s6 =	sld [smem:$0x3FB2]  }
0x2c: {  	s7 =	sld [smem:$0x3FB3]  }
0x2d: {  	s3 =	simm.s32 $0x108;
	s8 =	sld [smem:$0x3FB4]  }
0x2e: {  	s3 =	simm.s32 @!p0 $0x1082;
	s9 =	sld [smem:$0x3FB5]  }
0x2f: {  	lr =	sadd.s32 s0, s3;
	s0 =	sld [smem:$0x3FAC]  }
0x30: {  	s3 =	sld [smem:$0x3FAF]  }
0x31: {  	[smem:$0x3FB8] =	sst s10  }
0x32: {  	s10 =	sld [smem:$0x3FB6];
	_ =	sdelay $0x3  }
0x33: {  	p0 =	seq.s32 s10, $0x1;
	s10 =	sld [smem:$0x3FB8];
	_ =	sdelay $0x3  }
0x34: {  	[smem:$0x3FB8] =	sst s10  }
0x35: {  	s10 =	sld [smem:$0x3FB7];
	_ =	sdelay $0x3  }
0x36: {  	p1 =	seq.s32 s10, $0x1;
	s10 =	sld [smem:$0x3FB8];
	_ =	sdelay $0x3  }
0x37: {  	[smem:$0x3FB8] =	sst s10  }
0x38: {  	s10 =	sld [smem:$0x3FB9]  }
0x39: {  	_ = 	snop;
	(pc) =	sbr.ind lr, $3  }
0x3a: {  	_ = 	snop  }
0x3b: {  	_ = 	snop  }
0x3c: {  	p2 =	seq.s32 s10, $0x1;
	s10 =	sld [smem:$0x3FB8]  }
0x3d: {  	_ =	shalt  }
0x3e: {  	_ =	shalt  }
0x3f: {  	_ =	shalt  }
0x40: {  	_ =	shalt  }
0x41: {  	_ =	shalt  }
0x42: {  	_ =	shalt  }
0x43: {  	_ =	shalt  }
0x44: {  	_ =	shalt  }
0x45: {  	_ =	shalt  }
0x46: {  	_ =	shalt  }
0x47: {  	_ =	shalt  }
0x48: {  	_ =	shalt  }
0x49: {  	_ =	shalt  }
0x4a: {  	_ =	shalt  }
0x4b: {  	_ =	shalt  }
0x4c: {  	_ =	shalt  }
0x4d: {  	_ =	shalt  }
0x4e: {  	_ =	shalt  }
0x4f: {  	_ =	shalt  }
0x50: {  	_ =	shalt  }
0x51: {  	_ =	shalt  }
0x52: {  	_ =	shalt  }
0x53: {  	_ =	shalt  }
0x54: {  	_ =	shalt  }
0x55: {  	_ =	shalt  }
0x56: {  	_ =	shalt  }
0x57: {  	_ =	shalt  }
0x58: {  	_ =	shalt  }
0x59: {  	_ =	shalt  }
0x5a: {  	_ =	shalt  }
0x5b: {  	_ =	shalt  }
0x5c: {  	_ =	shalt  }
0x5d: {  	_ =	shalt  }
0x5e: {  	_ =	shalt  }
0x5f: {  	_ =	shalt  }
0x60: {  	_ =	shalt  }
0x61: {  	_ =	shalt  }
0x62: {  	_ =	shalt  }
0x63: {  	_ =	shalt  }
0x64: {  	_ =	shalt  }
0x65: {  	_ =	shalt  }
0x66: {  	_ =	shalt  }
0x67: {  	_ =	shalt  }
0x68: {  	_ =	shalt  }
0x69: {  	_ =	shalt  }
0x6a: {  	_ =	shalt  }
0x6b: {  	_ =	shalt  }
0x6c: {  	_ =	shalt  }
0x6d: {  	_ =	shalt  }
0x6e: {  	_ =	shalt  }
0x6f: {  	_ =	shalt  }
0x70: {  	_ =	shalt  }
0x71: {  	_ =	shalt  }
0x72: {  	_ =	shalt  }
0x73: {  	_ =	shalt  }
0x74: {  	_ =	shalt  }
0x75: {  	_ =	shalt  }
0x76: {  	_ =	shalt  }
0x77: {  	_ =	shalt  }
0x78: {  	_ =	shalt  }
0x79: {  	_ =	shalt  }
0x7a: {  	_ =	shalt  }
0x7b: {  	_ =	shalt  }
0x7c: {  	_ =	shalt  }
0x7d: {  	_ =	shalt  }
0x7e: {  	_ =	shalt  }
0x7f: {  	_ =	shalt  }
0x80: {  	_ =	shalt  }
0x81: {  	_ =	shalt  }
0x82: {  	_ =	shalt  }
0x83: {  	_ =	shalt  }
0x84: {  	_ =	shalt  }
0x85: {  	_ =	shalt  }
0x86: {  	_ =	shalt  }
0x87: {  	_ =	shalt  }
.Lfunc_end0:
.L_simem_size_0:
called_computation.1_lowered:
.L_overlay_start_0:
0x88: {  	s2 =	sld [smem:$0x3FD9]  }
0x89: {  	s3 =	sld [smem:$0x3FFE];
	_ =	sdelay $0x1  }
0x8a: {  	s1 =	srdreg.scid  }
0x8b: {  	s0 =	sand.u32 $0x1, s1  }
0x8c: {  	s17 =	sshll.u32 s0, $0xA;
	s2 =	sadd.s32 s3, s2  }
0x8d: {  	s2 =	sadd.s32 s2, s17  }
0x8e: {  	[smem:$0x3FC4] =	sst s2  }
0x8f: {  	_ = 	snop  }
0x90: {  	s2 =	sld [smem:$0x3FD0];
	(tm) =	ssettm $0x1  }
0x91: {  	s18 =	sld [smem:$0x3FFB];
	_ =	sdelay $0x3  }
0x92: {  	_ =	strace s18  }
0x93: {  	s3 =	sld [smem:$0x3FFC];
	_ =	sdelay $0x3  }
0x94: {  	_ =	strace s3  }
0x95: {  	s3 =	sld [smem:$0x3FFD];
	_ =	sdelay $0x3  }
0x96: {  	_ =	strace s3  }
0x97: {  	_ =	strace $0x8FFFFFFF  }
0x98: {  	s19 =	sld [smem:$0x3FDB];
	_ =	sdelay $0x1  }
0x99: {  	s4 =	simm.s32 $_scs_section_size  }
0x9a: {  	s5 =	simm.s32 $_size__tile_overlayer_lowered;
	s6 =	simm.s32 $_tile_overlayer_lowered  }
0x9b: {  	s22 =	simm.s32 $0x1BFF;
	s21 =	sshll.u32 s6, $0x1;
	s3 =	sadd.s32 s4, s19  }
0x9c: {  	s7 =	simm.s32 $0x0;
	s20 =	sshll.u32 s5, $0x1;
	s5 =	sadd.s32 s21, s3  }
0x9d: {  	[timem:s7], [sflag:s22] =	dma.local [hbm:s5], s20  }
0x9e: {  	_ =	swait.ge [sflag:s22], s20  }
0x9f: {  	s4 =	ssub.s32 $0x0, s20;
	[sflag:s22] =	ssyncset.done $0x0  }
0xa0: {  	[sflag:s22] =	ssyncadd.s32 s4;
	_ =	sdelay $0x1  }
0xa1: {  	s23 =	simm.s32 $0x1B8B  }
0xa2: {  	_ =	swait.ge [sflag:s23], $0x1  }
0xa3: {  	[sflag:s23] =	ssyncset.done $0x0  }
0xa4: {  	s25 =	simm.s32 $0x1B8E;
	s24 =	sld [smem:$0x3FFE];
	[sflag:s23] =	ssyncadd.s32 $0xFFFFFFFF  }
0xa5: {  	s26 =	simm.s32 $execute0_lowered;
	[smem:$0x3FD2] =	sst s25  }
0xa6: {  	s5 =	sshll.u32 s26, $0x1;
	_ =	strace $0x80000049;
	[dreg:$0x1] =	wrdreg $0xFFFFFFFF  }
0xa7: {  	s28 =	simm.s32 $_size_execute0_lowered;
	s3 =	sadd.s32 s3, s5;
	[dreg:$0x0] =	wrdreg $0x0  }
0xa8: {  	s5 =	sshll.u32 s28, $0x1;
	[dreg:$0x2] =	wrdreg s3  }
0xa9: {  	[dreg:$0x3] =	wrdreg s5  }
0xaa: {  	[dreg:$0x4] =	wrdreg $0xC0  }
0xab: {  	_ =	task [dreg:s7], $0x5FFFF  }
0xac: {  	[dreg:$0x1] =	wrdreg $0xFFFFFFFF  }
0xad: {  	[dreg:$0x0] =	wrdreg $0x60  }
0xae: {  	[dreg:$0x2] =	wrdreg s24  }
0xaf: {  	[dreg:$0x3] =	wrdreg s2  }
0xb0: {  	[dreg:$0x4] =	wrdreg $0x112600  }
0xb1: {  	[dreg:$0x5] =	wrdreg $0x9  }
0xb2: {  	_ =	task.clear_ibuf [dreg:s7], $0x6FFFF;
	_ =	strace $0x90000049  }
0xb3: {  	s29 =	simm.s32 $0x9;
	_ =	strace $0x8000004B  }
0xb4: {  	_ =	swait.ge [sflag:s29], $0x1  }
0xb5: {  	[sflag:s29] =	ssyncadd.s32 $0xFFFFFFFF  }
0xb6: {  	_ =	strace $0x9000004B  }
0xb7: {  	_ =	sfence  }
0xb8: {  	s30 =	sld [smem:$0x0];
	_ =	sdelay $0x2  }
0xb9: {  	s31 =	sshll.u32 s1, $0xD;
	s1 =	sshrl.u32 s1, $0x2  }
0xba: {  	s3 =	sand.u32 $0x4000, s31;
	s1 =	sadd.s32 s1, s30  }
0xbb: {  	s0 =	sor.u32 s3, s0;
	s1 =	sshll.u32 s1, $0x11  }
0xbc: {  	s0 =	sor.u32 s1, s0  }
0xbd: {  	s0 =	sadd.s32 $0x8F2B, s0  }
0xbe: {  	[sflag:s0] =	ssyncadd.remote.s32 $0x1  }
0xbf: {  	_ =	sfence.sel $0xFFFF  }
0xc0: {  	[dreg:$0x0] =	wrdreg $0xFFFFFFFF;
	(pc) =	sbr.abs _section_cstart, $3  }
0xc1: {  	[dreg:$0x1] =	wrdreg $0xFFFFFFFF  }
0xc2: {  	_ =	task.clear_ibuf [dreg:s7], $0x2FFFF;
	_ =	strace $0x9FFFFFFF  }
0xc3: {  	(tm) =	ssettm $0x7FFFFFFF  }
tec
execute0_lowered:
.L_overlay_start_1:
0x0: {  	(tag) =	ssettag $0x1  }
0x1: {  	s5 =	rddreg [dreg:$0x0]  }
0x2: {  	s6 =	rddreg [dreg:$0x1]  }
0x3: {  	s2 =	rddreg [dreg:$0x2]  }
0x4: {  	s0 =	rddreg [dreg:$0x3];
	s3 =	simm.s32 $0x0  }
0x5: {  	s1 =	stileid.u32;
	s8 =	srdreg.scid;
	s17 =	simm.s32 $0x1  }
0x6: {  	s18 =	simm.s32 $0xFE60;
	s19 =	simm.s32 $0x50;
	s20 =	simm.s32 $0xEA10  }
0x7: {  	s21 =	simm.s32 $0x0;
	[smem:$0x7FF] =	sst s3;
	s7 =	smul.u32 $0x4E20, s1  }
0x8: {  	s4 =	sadd.s32 $0xBEA00, s5;
	s10 =	smul.u32 $0xA000, s1;
	s8 =	sand.u32 $0x1, s8  }
0x9: {  	s16 =	sadd.s32 $0x1EA00, s5;
	s31 =	sshll.u32 s1, $0x6;
	s11 =	smul.u32 $0x9C400, s8  }
0xa: {  	s12 =	sshllo.u32 s8, $0x1;
	s14 =	ssub.s32 $0x2, s8;
	s8 =	smul.u32 $0x140000, s8  }
0xb: {  	_ =	strace $0x8000004A;
	s9 =	sshrl.u32 s7, $0x3;
	s15 =	smul.u32 $0x4E200, s12  }
0xc: {  	s13 =	sshrl.u32 s10, $0x3;
	s25 =	sshrl.u32 s14, $0x1;
	s12 =	smul.u32 $0xA0000, s12  }
0xd: {  	s28 =	sadd.s32 s10, s2;
	s9 =	sadd.s32 s9, s5;
	s13 =	sadd.s32 s13, s5  }
0xe: {  	s11 =	sadd.s32 s7, s11;
	s14 =	ssub.s32 s14, s25;
	s8 =	sadd.s32 s10, s8  }
0xf: {  	s7 =	sadd.s32 s7, s15;
	s11 =	sshrl.u32 s11, $0x3;
	s26 =	sadd.s32 s10, s12  }
0x10: {  	s29 =	sshrl.u32 s8, $0x3;
	s8 =	sadd.s32 $0x800, s13;
	s12 =	simm.s32 $0x2  }
0x11: {  	s13 =	simm.s32 $0x4E20;
	s15 =	sshrl.u32 s28, $0x3;
	s7 =	sshrl.u32 s7, $0x3  }
0x12: {  	s5 =	sadd.s32 s6, s11;
	s30 =	sshrl.u32 s26, $0x3;
	s11 =	smax.u32 s14, $0x1  }
0x13: {  	s14 =	sor.u32 $0x1C02, s31;
	s6 =	sadd.s32 s6, s7;
	s7 =	sadd.s32 $0x14C00, s9  }
0x14: {  	s9 =	sadd.s32 s16, s29;
	s10 =	sadd.s32 s16, s30;
	s16 =	simm.s32 $0xEA60  }
.LBB2_1:
0x15: {  	[tilespmem:s3], [sflag:$0x2] =	stream.linear.gather [hbm4b:s5+s3], $0x4E20, $0x38;
	[tilespmem:$0x1B260] =	vst v63  }
0x16: {  	_ =	swait.ge [sflag:s12], $0x4E20  }
0x17: {  	[sflag:s12] =	ssyncset.done $0x0  }
0x18: {  	[sflag:s12] =	ssyncadd.s32 $0xFFFFB1E0  }
0x19: {  	[tilespmem:s13], [sflag:$0x2] =	stream.linear.gather [hbm4b:s6+s3], $0x4E20, $0x38;
	[tilespmem:$0x1B260] =	vst v63  }
0x1a: {  	_ =	swait.ge [sflag:s12], $0x4E20  }
0x1b: {  	[sflag:s12] =	ssyncset.done $0x0  }
0x1c: {  	s22 =	simm.s32 $0x9C40;
	[sflag:s12] =	ssyncadd.s32 $0xFFFFB1E0  }
0x1d: {  	[tilespmem:s22], [sflag:$0x2] =	stream.linear.gather [hbm4b:s7+s3], $0x4E20, $0x38;
	[tilespmem:$0x1B260] =	vst v63  }
0x1e: {  	_ =	swait.ge [sflag:s12], $0x4E20  }
0x1f: {  	[sflag:s12] =	ssyncset.done $0x0  }
0x20: {  	[sflag:s12] =	ssyncadd.s32 $0xFFFFB1E0  }
0x21: {  	[spmem:s15], [sflag:s14] =	dma.local [hbm:s8], $0x1400  }
0x22: {  	_ =	swait.ge [sflag:s12], $0x1400  }
0x23: {  	[sflag:s12] =	ssyncset.done $0x0  }
0x24: {  	s23 =	simm.s32 $0x1;
	[sflag:s12] =	ssyncadd.s32 $0xFFFFEC00  }
0x25: {  	s24 =	sand.u32 $0x1, s23;
	[bflag:$0x0] =	sbarrier.arrive $0xFFFF  }
0x26: {  	[tilespmem:s16], [sflag:$0x1] =	stream.indirect.gather [hbm4b:s4+s19], $0x40, s3, s19, $0xb8;
	[tilespmem:$0x1B260] =	vst v63  }
0x27: {  	p0 =	seq.s32 s24, $0x1;
	s24 =	simm.s32 $0xFE60;
	_ =	swait.ge [sflag:s17], $0x1400  }
0x28: {  	s25 =	sand.u32 $0x1, s3;
	s24 =	simm.s32 @!p0 $0xEA60;
	[sflag:s17] =	ssyncset.done $0x0  }
0x29: {  	p0 =	seq.s32 s25, $0x1;
	s25 =	simm.s32 $0xFE60;
	[sflag:s17] =	ssyncadd.s32 $0xFFFFEC00  }
0x2a: {  	[tilespmem:s24], [sflag:$0x1] =	stream.indirect.gather [hbm4b:s4+s19], $0x40, s19, s19, $0xb8;
	[tilespmem:$0x1B260] =	vst v63  }
0x2b: {  	s25 =	simm.s32 @!p0 $0xEA60;
	s24 =	simm.s32 $0x50  }
.LBB2_2:
0x2c: {  	[spmem:s2] =	stream.indirect.scatter.add.f32 [tilespmem:s25], [sflag:$0x2], $0x40, s22, s19, $0xb8;
	[tilespmem:$0x1B260] =	vst v63  }
0x2d: {  	s25 =	smov.u32 s23  }
0x2e: {  	p0 =	sne.s32 s23, $0xF8;
	s23 =	sadd.s32 $0x1, s23;
	_ =	swait.ge [sflag:s12], $0x1400  }
0x2f: {  	s24 =	sadd.s32 $0x50, s24;
	s26 =	sand.u32 $0x1, s23;
	[sflag:s12] =	ssyncset.done $0x0  }
0x30: {  	s25 =	sand.u32 $0x1, s25;
	p1 =	seq.s32 s26, $0x1;
	[sflag:s12] =	ssyncadd.s32 $0xFFFFEC00  }
.Ltmp0:
0x31: {  	s26 =	simm.s32 $0xFE60;
	_ =	swait.ge [sflag:s17], $0x1400;
	(pc) =	sbr.rel @p0 .LBB2_2-.Ltmp0, $4  }
0x32: {  	s22 =	sadd.s32 $0x50, s22;
	s26 =	simm.s32 @!p1 $0xEA60;
	[sflag:s17] =	ssyncset.done $0x0  }
0x33: {  	p1 =	seq.s32 s25, $0x1;
	s25 =	simm.s32 $0xFE60;
	[sflag:s17] =	ssyncadd.s32 $0xFFFFEC00  }
0x34: {  	[tilespmem:s26], [sflag:$0x1] =	stream.indirect.gather [hbm4b:s4+s19], $0x40, s24, s19, $0xb8;
	[tilespmem:$0x1B260] =	vst v63  }
0x35: {  	s25 =	simm.s32 @!p1 $0xEA60  }
0x36: {  	[spmem:s2] =	stream.indirect.scatter.add.f32 [tilespmem:s25], [sflag:$0x2], $0x40, s22, s19, $0xb8;
	[tilespmem:$0x1B260] =	vst v63  }
0x37: {  	_ =	swait.ge [sflag:s12], $0x1400  }
0x38: {  	[sflag:s12] =	ssyncset.done $0x0  }
0x39: {  	[sflag:s12] =	ssyncadd.s32 $0xFFFFEC00  }
0x3a: {  	_ =	swait.ge [sflag:s17], $0x1400  }
0x3b: {  	[sflag:s17] =	ssyncset.done $0x0  }
0x3c: {  	[sflag:s17] =	ssyncadd.s32 $0xFFFFEC00  }
0x3d: {  	[spmem:s2] =	stream.indirect.scatter.add.f32 [tilespmem:s18], [sflag:$0x2], $0x40, s20, s19, $0xb8;
	[tilespmem:$0x1B260] =	vst v63  }
0x3e: {  	_ =	swait.ge [sflag:s12], $0x1400  }
0x3f: {  	[sflag:s12] =	ssyncset.done $0x0  }
0x40: {  	[sflag:s12] =	ssyncadd.s32 $0xFFFFEC00  }
0x41: {  	[bflag:$0x0] =	sbarrier.arrive $0xFFFF  }
0x42: {  	[hbm:s9], [sflag:s14] =	dma.local [spmem:s15], $0x1400  }
0x43: {  	_ =	swait.ge [sflag:s12], $0x1400  }
0x44: {  	[sflag:s12] =	ssyncset.done $0x0  }
0x45: {  	[sflag:s12] =	ssyncadd.s32 $0xFFFFEC00  }
0x46: {  	[spmem:s15], [sflag:s14] =	dma.local [hbm:s8], $0x1400  }
0x47: {  	_ =	swait.ge [sflag:s12], $0x1400  }
0x48: {  	[sflag:s12] =	ssyncset.done $0x0  }
0x49: {  	[sflag:s12] =	ssyncadd.s32 $0xFFFFEC00  }
0x4a: {  	s22 =	simm.s32 $0x1;
	s24 =	simm.s32 $0x0;
	[bflag:$0x0] =	sbarrier.arrive $0xFFFF  }
0x4b: {  	[tilespmem:s16], [sflag:$0x1] =	stream.indirect.gather [hbm4b:s4+s19], $0x40, s13, s19, $0xb8;
	[tilespmem:$0x1B260] =	vst v63  }
0x4c: {  	s25 =	simm.s32 $0xFE60;
	s23 =	sand.u32 $0x1, s22;
	_ =	swait.ge [sflag:s17], $0x1400  }
0x4d: {  	s24 =	sand.u32 $0x1, s24;
	p0 =	seq.s32 s23, $0x1;
	[sflag:s17] =	ssyncset.done $0x0  }
0x4e: {  	s23 =	simm.s32 $0x4E70;
	s25 =	simm.s32 @!p0 $0xEA60;
	[sflag:s17] =	ssyncadd.s32 $0xFFFFEC00  }
0x4f: {  	[tilespmem:s25], [sflag:$0x1] =	stream.indirect.gather [hbm4b:s4+s19], $0x40, s23, s19, $0xb8;
	[tilespmem:$0x1B260] =	vst v63  }
0x50: {  	p0 =	seq.s32 s24, $0x1;
	s25 =	simm.s32 $0xFE60  }
0x51: {  	s24 =	simm.s32 $0x9C40;
	s25 =	simm.s32 @!p0 $0xEA60  }
.LBB2_4:
0x52: {  	[spmem:s2] =	stream.indirect.scatter.add.f32 [tilespmem:s25], [sflag:$0x2], $0x40, s24, s19, $0xb8;
	[tilespmem:$0x1B260] =	vst v63  }
0x53: {  	s25 =	smov.u32 s22  }
0x54: {  	p0 =	sne.s32 s22, $0xF8;
	s22 =	sadd.s32 $0x1, s22;
	_ =	swait.ge [sflag:s12], $0x1400  }
0x55: {  	s23 =	sadd.s32 $0x50, s23;
	s26 =	sand.u32 $0x1, s22;
	[sflag:s12] =	ssyncset.done $0x0  }
0x56: {  	s25 =	sand.u32 $0x1, s25;
	p1 =	seq.s32 s26, $0x1;
	[sflag:s12] =	ssyncadd.s32 $0xFFFFEC00  }
.Ltmp1:
0x57: {  	s26 =	simm.s32 $0xFE60;
	_ =	swait.ge [sflag:s17], $0x1400;
	(pc) =	sbr.rel @p0 .LBB2_4-.Ltmp1, $4  }
0x58: {  	s24 =	sadd.s32 $0x50, s24;
	s26 =	simm.s32 @!p1 $0xEA60;
	[sflag:s17] =	ssyncset.done $0x0  }
0x59: {  	p1 =	seq.s32 s25, $0x1;
	s25 =	simm.s32 $0xFE60;
	[sflag:s17] =	ssyncadd.s32 $0xFFFFEC00  }
0x5a: {  	[tilespmem:s26], [sflag:$0x1] =	stream.indirect.gather [hbm4b:s4+s19], $0x40, s23, s19, $0xb8;
	[tilespmem:$0x1B260] =	vst v63  }
0x5b: {  	s25 =	simm.s32 @!p1 $0xEA60  }
0x5c: {  	[spmem:s2] =	stream.indirect.scatter.add.f32 [tilespmem:s25], [sflag:$0x2], $0x40, s24, s19, $0xb8;
	[tilespmem:$0x1B260] =	vst v63  }
0x5d: {  	_ =	swait.ge [sflag:s12], $0x1400  }
0x5e: {  	[sflag:s12] =	ssyncset.done $0x0  }
0x5f: {  	[sflag:s12] =	ssyncadd.s32 $0xFFFFEC00  }
0x60: {  	_ =	swait.ge [sflag:s17], $0x1400  }
0x61: {  	[sflag:s17] =	ssyncset.done $0x0  }
0x62: {  	[sflag:s17] =	ssyncadd.s32 $0xFFFFEC00  }
0x63: {  	[spmem:s2] =	stream.indirect.scatter.add.f32 [tilespmem:s18], [sflag:$0x2], $0x40, s20, s19, $0xb8;
	[tilespmem:$0x1B260] =	vst v63  }
0x64: {  	_ =	swait.ge [sflag:s12], $0x1400  }
0x65: {  	s21 =	sadd.s32 $0x1, s21;
	[sflag:s12] =	ssyncset.done $0x0  }
0x66: {  	p0 =	sne.s32 s21, s11;
	[sflag:s12] =	ssyncadd.s32 $0xFFFFEC00  }
.Ltmp2:
0x67: {  	[bflag:$0x0] =	sbarrier.arrive $0xFFFF;
	(pc) =	sbr.rel @p0 .LBB2_1-.Ltmp2, $4  }
0x68: {  	[hbm:s10], [sflag:s14] =	dma.local [spmem:s15], $0x1400  }
0x69: {  	_ =	swait.ge [sflag:s12], $0x1400  }
0x6a: {  	[sflag:s12] =	ssyncset.done $0x0  }
0x6b: {  	[sflag:s12] =	ssyncadd.s32 $0xFFFFEC00  }
0x6c: {  	_ =	sfence.sel $0x180000  }
0x6d: {  	[bflag:$0x0] =	sbarrier.arrive $0xFFFF  }
0x6e: {  	p0 =	sne.s32 s1, $0x0;
	_ =	strace $0x9000004A  }
0x6f: {  	s0 =	sadd.s32 @!p0 $0x100000, s0;
	[bflag:$0x2] =	sbarrier.arrive $0xFFFF  }
0x70: {  	[sflag:s0] =	ssyncadd.tile.s32 @!p0 $0x1;
	_ =	shalt  }
.Lfunc_end2:
_tile_overlayer_lowered:
.L_overlay_start_2:
0x71: {  	(tag) =	ssettag $0x2  }
0x72: {  	s0 =	rddreg [dreg:$0x0];
	s2 =	stileid.u32  }
0x73: {  	s1 =	rddreg [dreg:$0x1];
	p0 =	sne.s32 s2, $0x0  }
0x74: {  	s3 =	rddreg [dreg:$0x2];
	[bflag:$0x3] =	sbarrier.arrive $0xFFFF;
	s2 =	simm.s32 @!p0 $0x1C02  }
0x75: {  	[timem:s3], [sflag:s2] =	dma.local @!p0 [hbm:s0], s1  }
0x76: {  	s0 =	simm.s32 @!p0 $0x2  }
0x77: {  	_ =	swait.ge @!p0 [sflag:s0], s1  }
0x78: {  	s1 =	ssub.s32 @!p0 $0x0, s1;
	[sflag:s0] =	ssyncset.done @!p0 $0x0  }
0x79: {  	[sflag:s0] =	ssyncadd.s32 @!p0 s1  }
0x7a: {  	[bflag:$0x3] =	sbarrier.arrive $0xFFFF  }
0x7b: {  	_ =	shalt  }

// kernel: kernel.14.cloned.1.call-start
scs
__scs_entry_jumppad:
0x0: {  	(pc) =	sbr.rel $0x88, $3  }
0x1: {  	(tag) =	ssettag $0x0;
	lr =	simm.s32 $0x1  }
0x2: {  	[smem:$0x3F9D] =	sst lr;
	_ =	strace $0xD0000000  }
0x3: {  	_ = 	snop  }
0x4: {  	_ = 	snop  }
0x5: {  	_ = 	snop  }
0x6: {  	_ = 	snop  }
0x7: {  	_ = 	snop  }
__scs_overlays_trampoline_lowered:
0x8: {  	[smem:$0x3FAC] =	sst s0  }
0x9: {  	[smem:$0x3FAD] =	sst s1  }
0xa: {  	[smem:$0x3FAE] =	sst s2  }
0xb: {  	[smem:$0x3FAF] =	sst s3  }
0xc: {  	[smem:$0x3FB0] =	sst s4  }
0xd: {  	[smem:$0x3FB1] =	sst s5  }
0xe: {  	[smem:$0x3FB2] =	sst s6  }
0xf: {  	[smem:$0x3FB3] =	sst s7  }
0x10: {  	[smem:$0x3FB4] =	sst s8  }
0x11: {  	[smem:$0x3FB5] =	sst s9;
	s0 =	simm.s32 @!p0 $0x0  }
0x12: {  	s1 =	sld [smem:$0x3F9B];
	s0 =	simm.s32 @p0 $0x1  }
0x13: {  	[smem:$0x3FB6] =	sst s0;
	s0 =	simm.s32 @!p1 $0x0  }
0x14: {  	s2 =	sld [smem:$0x3F9A];
	s0 =	simm.s32 @p1 $0x1  }
0x15: {  	[smem:$0x3FB7] =	sst s0;
	s0 =	simm.s32 @!p2 $0x0  }
0x16: {  	s3 =	sld [smem:$0x3FDB];
	s0 =	simm.s32 @p2 $0x1  }
0x17: {  	s4 =	simm.s32 $0x1BF5;
	[smem:$0x3FB9] =	sst s0  }
0x18: {  	s0 =	sld [smem:$0x3F9C];
	_ =	swait.ge [sflag:s4], $0x0  }
0x19: {  	s7 =	sld [smem:$0x3F9D]  }
0x1a: {  	s8 =	sadd.s32 $0xFFFFE003, lr  }
0x1b: {  	s9 =	sadd.s32 $0xFFFFFEF7, lr;
	s5 =	simm.s32 $0xFFFFFFFF;
	p2 =	slt.u32 s8, $0xFFFFF086  }
0x1c: {  	p1 =	slt.u32 s9, $0xF7A;
	s5 =	simm.s32 @!p2 $0x0  }
0x1d: {  	s5 =	simm.s32 @p1 $0x1;
	p0 =	seq.s32 s7, s2  }
0x1e: {  	s7 =	smul.u32 @!p0 $0xF7A, s2;
	p2 =	seq.s32 @!p0 s5, $0x0  }
0x1f: {  	s9 =	smul.u32 $0xF7A, s1;
	s8 =	simm.s32 @!p0 $0x1BF5;
	p2 =	por !p2, p0  }
0x20: {  	[sflag:s8] =	ssyncset.s32 @!p0 $0xFFFFF086;
	s6 =	sadd.s32 @!p0 s3, s7;
	s7 =	simm.s32 @!p0 $0x108  }
0x21: {  	s3 =	sadd.s32 s3, s9;
	s6 =	sadd.s32 @!p0 $0x88, s6;
	s7 =	simm.s32 @p2 $0x1082  }
0x22: {  	[simem:s7], [sflag:s8] =	dma.local @!p0 [hbm:s6], $0xF7A  }
0x23: {  	s9 =	sor.u32 $0xD0000000, s2;
	s6 =	simm.s32 $0x108;
	_ =	swait.ge @!p0 [sflag:s8], $0x0  }
0x24: {  	s3 =	sadd.s32 $0x88, s3;
	s6 =	simm.s32 @!p1 $0x1082;
	[sflag:s4] =	ssyncset.s32 $0xFFFFF086  }
0x25: {  	[simem:s6], [sflag:s4] =	dma.local [hbm:s3], $0xF7A  }
0x26: {  	[smem:$0x3F9D] =	sst s1;
	(tag) =	ssettag s2;
	_ =	strace s9  }
0x27: {  	s1 =	sld [smem:$0x3FAD]  }
0x28: {  	s2 =	sld [smem:$0x3FAE]  }
0x29: {  	s4 =	sld [smem:$0x3FB0]  }
0x2a: {  	p0 =	seq.s32 s5, $0x0;
	s5 =	sld [smem:$0x3FB1]  }
0x2b: {  	s6 =	sld [smem:$0x3FB2]  }
0x2c: {  	s7 =	sld [smem:$0x3FB3]  }
0x2d: {  	s3 =	simm.s32 $0x108;
	s8 =	sld [smem:$0x3FB4]  }
0x2e: {  	s3 =	simm.s32 @!p0 $0x1082;
	s9 =	sld [smem:$0x3FB5]  }
0x2f: {  	lr =	sadd.s32 s0, s3;
	s0 =	sld [smem:$0x3FAC]  }
0x30: {  	s3 =	sld [smem:$0x3FAF]  }
0x31: {  	[smem:$0x3FB8] =	sst s10  }
0x32: {  	s10 =	sld [smem:$0x3FB6];
	_ =	sdelay $0x3  }
0x33: {  	p0 =	seq.s32 s10, $0x1;
	s10 =	sld [smem:$0x3FB8];
	_ =	sdelay $0x3  }
0x34: {  	[smem:$0x3FB8] =	sst s10  }
0x35: {  	s10 =	sld [smem:$0x3FB7];
	_ =	sdelay $0x3  }
0x36: {  	p1 =	seq.s32 s10, $0x1;
	s10 =	sld [smem:$0x3FB8];
	_ =	sdelay $0x3  }
0x37: {  	[smem:$0x3FB8] =	sst s10  }
0x38: {  	s10 =	sld [smem:$0x3FB9]  }
0x39: {  	_ = 	snop;
	(pc) =	sbr.ind lr, $3  }
0x3a: {  	_ = 	snop  }
0x3b: {  	_ = 	snop  }
0x3c: {  	p2 =	seq.s32 s10, $0x1;
	s10 =	sld [smem:$0x3FB8]  }
0x3d: {  	_ =	shalt  }
0x3e: {  	_ =	shalt  }
0x3f: {  	_ =	shalt  }
0x40: {  	_ =	shalt  }
0x41: {  	_ =	shalt  }
0x42: {  	_ =	shalt  }
0x43: {  	_ =	shalt  }
0x44: {  	_ =	shalt  }
0x45: {  	_ =	shalt  }
0x46: {  	_ =	shalt  }
0x47: {  	_ =	shalt  }
0x48: {  	_ =	shalt  }
0x49: {  	_ =	shalt  }
0x4a: {  	_ =	shalt  }
0x4b: {  	_ =	shalt  }
0x4c: {  	_ =	shalt  }
0x4d: {  	_ =	shalt  }
0x4e: {  	_ =	shalt  }
0x4f: {  	_ =	shalt  }
0x50: {  	_ =	shalt  }
0x51: {  	_ =	shalt  }
0x52: {  	_ =	shalt  }
0x53: {  	_ =	shalt  }
0x54: {  	_ =	shalt  }
0x55: {  	_ =	shalt  }
0x56: {  	_ =	shalt  }
0x57: {  	_ =	shalt  }
0x58: {  	_ =	shalt  }
0x59: {  	_ =	shalt  }
0x5a: {  	_ =	shalt  }
0x5b: {  	_ =	shalt  }
0x5c: {  	_ =	shalt  }
0x5d: {  	_ =	shalt  }
0x5e: {  	_ =	shalt  }
0x5f: {  	_ =	shalt  }
0x60: {  	_ =	shalt  }
0x61: {  	_ =	shalt  }
0x62: {  	_ =	shalt  }
0x63: {  	_ =	shalt  }
0x64: {  	_ =	shalt  }
0x65: {  	_ =	shalt  }
0x66: {  	_ =	shalt  }
0x67: {  	_ =	shalt  }
0x68: {  	_ =	shalt  }
0x69: {  	_ =	shalt  }
0x6a: {  	_ =	shalt  }
0x6b: {  	_ =	shalt  }
0x6c: {  	_ =	shalt  }
0x6d: {  	_ =	shalt  }
0x6e: {  	_ =	shalt  }
0x6f: {  	_ =	shalt  }
0x70: {  	_ =	shalt  }
0x71: {  	_ =	shalt  }
0x72: {  	_ =	shalt  }
0x73: {  	_ =	shalt  }
0x74: {  	_ =	shalt  }
0x75: {  	_ =	shalt  }
0x76: {  	_ =	shalt  }
0x77: {  	_ =	shalt  }
0x78: {  	_ =	shalt  }
0x79: {  	_ =	shalt  }
0x7a: {  	_ =	shalt  }
0x7b: {  	_ =	shalt  }
0x7c: {  	_ =	shalt  }
0x7d: {  	_ =	shalt  }
0x7e: {  	_ =	shalt  }
0x7f: {  	_ =	shalt  }
0x80: {  	_ =	shalt  }
0x81: {  	_ =	shalt  }
0x82: {  	_ =	shalt  }
0x83: {  	_ =	shalt  }
0x84: {  	_ =	shalt  }
0x85: {  	_ =	shalt  }
0x86: {  	_ =	shalt  }
0x87: {  	_ =	shalt  }
.Lfunc_end0:
.L_simem_size_0:
called_computation.2_lowered:
.L_overlay_start_0:
0x88: {  	s2 =	sld [smem:$0x3FD9]  }
0x89: {  	s3 =	sld [smem:$0x3FFE];
	_ =	sdelay $0x1  }
0x8a: {  	s1 =	srdreg.scid  }
0x8b: {  	s0 =	sand.u32 $0x1, s1  }
0x8c: {  	s17 =	sshll.u32 s0, $0xA;
	s2 =	sadd.s32 s3, s2  }
0x8d: {  	s2 =	sadd.s32 s2, s17  }
0x8e: {  	[smem:$0x3FC4] =	sst s2  }
0x8f: {  	_ = 	snop  }
0x90: {  	s2 =	sld [smem:$0x3FD0];
	(tm) =	ssettm $0x1  }
0x91: {  	s18 =	sld [smem:$0x3FFB];
	_ =	sdelay $0x3  }
0x92: {  	_ =	strace s18  }
0x93: {  	s3 =	sld [smem:$0x3FFC];
	_ =	sdelay $0x3  }
0x94: {  	_ =	strace s3  }
0x95: {  	s3 =	sld [smem:$0x3FFD];
	_ =	sdelay $0x3  }
0x96: {  	_ =	strace s3  }
0x97: {  	_ =	strace $0x8FFFFFFF  }
0x98: {  	s19 =	sld [smem:$0x3FDB];
	_ =	sdelay $0x1  }
0x99: {  	s4 =	simm.s32 $_scs_section_size  }
0x9a: {  	s5 =	simm.s32 $_size__tile_overlayer_lowered;
	s6 =	simm.s32 $_tile_overlayer_lowered  }
0x9b: {  	s22 =	simm.s32 $0x1BFF;
	s21 =	sshll.u32 s6, $0x1;
	s3 =	sadd.s32 s4, s19  }
0x9c: {  	s7 =	simm.s32 $0x0;
	s20 =	sshll.u32 s5, $0x1;
	s5 =	sadd.s32 s21, s3  }
0x9d: {  	[timem:s7], [sflag:s22] =	dma.local [hbm:s5], s20  }
0x9e: {  	_ =	swait.ge [sflag:s22], s20  }
0x9f: {  	s4 =	ssub.s32 $0x0, s20;
	[sflag:s22] =	ssyncset.done $0x0  }
0xa0: {  	[sflag:s22] =	ssyncadd.s32 s4;
	_ =	sdelay $0x1  }
0xa1: {  	s23 =	simm.s32 $0x1B8B  }
0xa2: {  	_ =	swait.ge [sflag:s23], $0x1  }
0xa3: {  	[sflag:s23] =	ssyncset.done $0x0  }
0xa4: {  	s25 =	simm.s32 $0x1B8E;
	s24 =	sld [smem:$0x3FFE];
	[sflag:s23] =	ssyncadd.s32 $0xFFFFFFFF  }
0xa5: {  	s26 =	simm.s32 $execute0_lowered;
	[smem:$0x3FD2] =	sst s25  }
0xa6: {  	s5 =	sshll.u32 s26, $0x1;
	_ =	strace $0x8000004C;
	[dreg:$0x1] =	wrdreg $0xFFFFFFFF  }
0xa7: {  	s28 =	simm.s32 $_size_execute0_lowered;
	s3 =	sadd.s32 s3, s5;
	[dreg:$0x0] =	wrdreg $0x0  }
0xa8: {  	s5 =	sshll.u32 s28, $0x1;
	[dreg:$0x2] =	wrdreg s3  }
0xa9: {  	[dreg:$0x3] =	wrdreg s5  }
0xaa: {  	[dreg:$0x4] =	wrdreg $0xC0  }
0xab: {  	_ =	task [dreg:s7], $0x5FFFF  }
0xac: {  	[dreg:$0x1] =	wrdreg $0xFFFFFFFF  }
0xad: {  	[dreg:$0x0] =	wrdreg $0x60  }
0xae: {  	[dreg:$0x2] =	wrdreg s24  }
0xaf: {  	[dreg:$0x3] =	wrdreg s2  }
0xb0: {  	[dreg:$0x4] =	wrdreg $0x112600  }
0xb1: {  	[dreg:$0x5] =	wrdreg $0x9  }
0xb2: {  	_ =	task.clear_ibuf [dreg:s7], $0x6FFFF;
	_ =	strace $0x9000004C  }
0xb3: {  	s29 =	simm.s32 $0x9;
	_ =	strace $0x8000004E  }
0xb4: {  	_ =	swait.ge [sflag:s29], $0x1  }
0xb5: {  	[sflag:s29] =	ssyncadd.s32 $0xFFFFFFFF  }
0xb6: {  	_ =	strace $0x9000004E  }
0xb7: {  	_ =	sfence  }
0xb8: {  	s30 =	sld [smem:$0x0];
	_ =	sdelay $0x2  }
0xb9: {  	s31 =	sshll.u32 s1, $0xD;
	s1 =	sshrl.u32 s1, $0x2  }
0xba: {  	s3 =	sand.u32 $0x4000, s31;
	s1 =	sadd.s32 s1, s30  }
0xbb: {  	s0 =	sor.u32 s3, s0;
	s1 =	sshll.u32 s1, $0x11  }
0xbc: {  	s0 =	sor.u32 s1, s0  }
0xbd: {  	s0 =	sadd.s32 $0x8F2B, s0  }
0xbe: {  	[sflag:s0] =	ssyncadd.remote.s32 $0x1  }
0xbf: {  	_ =	sfence.sel $0xFFFF  }
0xc0: {  	[dreg:$0x0] =	wrdreg $0xFFFFFFFF;
	(pc) =	sbr.abs _section_cstart, $3  }
0xc1: {  	[dreg:$0x1] =	wrdreg $0xFFFFFFFF  }
0xc2: {  	_ =	task.clear_ibuf [dreg:s7], $0x2FFFF;
	_ =	strace $0x9FFFFFFF  }
0xc3: {  	(tm) =	ssettm $0x7FFFFFFF  }
tec
execute0_lowered:
.L_overlay_start_1:
0x0: {  	(tag) =	ssettag $0x1  }
0x1: {  	s5 =	rddreg [dreg:$0x0]  }
0x2: {  	s6 =	rddreg [dreg:$0x1]  }
0x3: {  	s2 =	rddreg [dreg:$0x2]  }
0x4: {  	s0 =	rddreg [dreg:$0x3];
	s3 =	simm.s32 $0x0  }
0x5: {  	s1 =	stileid.u32;
	s8 =	srdreg.scid;
	s17 =	simm.s32 $0x1  }
0x6: {  	s18 =	simm.s32 $0xFE60;
	s19 =	simm.s32 $0x50;
	s20 =	simm.s32 $0xEA10  }
0x7: {  	s21 =	simm.s32 $0x0;
	[smem:$0x7FF] =	sst s3;
	s7 =	smul.u32 $0x4E20, s1  }
0x8: {  	s4 =	sadd.s32 $0x1EA00, s5;
	s10 =	smul.u32 $0xA000, s1;
	s8 =	sand.u32 $0x1, s8  }
0x9: {  	s16 =	sadd.s32 $0x10EA00, s5;
	s31 =	sshll.u32 s1, $0x6;
	s11 =	smul.u32 $0x9C400, s8  }
0xa: {  	s12 =	sshllo.u32 s8, $0x1;
	s14 =	ssub.s32 $0x2, s8;
	s8 =	smul.u32 $0x140000, s8  }
0xb: {  	_ =	strace $0x8000004D;
	s9 =	sshrl.u32 s7, $0x3;
	s15 =	smul.u32 $0x4E200, s12  }
0xc: {  	s13 =	sshrl.u32 s10, $0x3;
	s25 =	sshrl.u32 s14, $0x1;
	s12 =	smul.u32 $0xA0000, s12  }
0xd: {  	s28 =	sadd.s32 s10, s2;
	s9 =	sadd.s32 s9, s5;
	s13 =	sadd.s32 s13, s5  }
0xe: {  	s11 =	sadd.s32 s7, s11;
	s14 =	ssub.s32 s14, s25;
	s8 =	sadd.s32 s10, s8  }
0xf: {  	s7 =	sadd.s32 s7, s15;
	s11 =	sshrl.u32 s11, $0x3;
	s26 =	sadd.s32 s10, s12  }
0x10: {  	s29 =	sshrl.u32 s8, $0x3;
	s8 =	sadd.s32 $0x800, s13;
	s12 =	simm.s32 $0x2  }
0x11: {  	s13 =	simm.s32 $0x4E20;
	s15 =	sshrl.u32 s28, $0x3;
	s7 =	sshrl.u32 s7, $0x3  }
0x12: {  	s5 =	sadd.s32 s6, s11;
	s30 =	sshrl.u32 s26, $0x3;
	s11 =	smax.u32 s14, $0x1  }
0x13: {  	s14 =	sor.u32 $0x1C02, s31;
	s6 =	sadd.s32 s6, s7;
	s7 =	sadd.s32 $0x14C00, s9  }
0x14: {  	s9 =	sadd.s32 s16, s29;
	s10 =	sadd.s32 s16, s30;
	s16 =	simm.s32 $0xEA60  }
.LBB2_1:
0x15: {  	[tilespmem:s3], [sflag:$0x2] =	stream.linear.gather [hbm4b:s5+s3], $0x4E20, $0x38;
	[tilespmem:$0x1B260] =	vst v63  }
0x16: {  	_ =	swait.ge [sflag:s12], $0x4E20  }
0x17: {  	[sflag:s12] =	ssyncset.done $0x0  }
0x18: {  	[sflag:s12] =	ssyncadd.s32 $0xFFFFB1E0  }
0x19: {  	[tilespmem:s13], [sflag:$0x2] =	stream.linear.gather [hbm4b:s6+s3], $0x4E20, $0x38;
	[tilespmem:$0x1B260] =	vst v63  }
0x1a: {  	_ =	swait.ge [sflag:s12], $0x4E20  }
0x1b: {  	[sflag:s12] =	ssyncset.done $0x0  }
0x1c: {  	s22 =	simm.s32 $0x9C40;
	[sflag:s12] =	ssyncadd.s32 $0xFFFFB1E0  }
0x1d: {  	[tilespmem:s22], [sflag:$0x2] =	stream.linear.gather [hbm4b:s7+s3], $0x4E20, $0x38;
	[tilespmem:$0x1B260] =	vst v63  }
0x1e: {  	_ =	swait.ge [sflag:s12], $0x4E20  }
0x1f: {  	[sflag:s12] =	ssyncset.done $0x0  }
0x20: {  	[sflag:s12] =	ssyncadd.s32 $0xFFFFB1E0  }
0x21: {  	[spmem:s15], [sflag:s14] =	dma.local [hbm:s8], $0x1400  }
0x22: {  	_ =	swait.ge [sflag:s12], $0x1400  }
0x23: {  	[sflag:s12] =	ssyncset.done $0x0  }
0x24: {  	s23 =	simm.s32 $0x1;
	[sflag:s12] =	ssyncadd.s32 $0xFFFFEC00  }
0x25: {  	s24 =	sand.u32 $0x1, s23;
	[bflag:$0x0] =	sbarrier.arrive $0xFFFF  }
0x26: {  	[tilespmem:s16], [sflag:$0x1] =	stream.indirect.gather [hbm4b:s4+s19], $0x40, s3, s19, $0xb8;
	[tilespmem:$0x1B260] =	vst v63  }
0x27: {  	p0 =	seq.s32 s24, $0x1;
	s24 =	simm.s32 $0xFE60;
	_ =	swait.ge [sflag:s17], $0x1400  }
0x28: {  	s25 =	sand.u32 $0x1, s3;
	s24 =	simm.s32 @!p0 $0xEA60;
	[sflag:s17] =	ssyncset.done $0x0  }
0x29: {  	p0 =	seq.s32 s25, $0x1;
	s25 =	simm.s32 $0xFE60;
	[sflag:s17] =	ssyncadd.s32 $0xFFFFEC00  }
0x2a: {  	[tilespmem:s24], [sflag:$0x1] =	stream.indirect.gather [hbm4b:s4+s19], $0x40, s19, s19, $0xb8;
	[tilespmem:$0x1B260] =	vst v63  }
0x2b: {  	s25 =	simm.s32 @!p0 $0xEA60;
	s24 =	simm.s32 $0x50  }
.LBB2_2:
0x2c: {  	[spmem:s2] =	stream.indirect.scatter.add.f32 [tilespmem:s25], [sflag:$0x2], $0x40, s22, s19, $0xb8;
	[tilespmem:$0x1B260] =	vst v63  }
0x2d: {  	s25 =	smov.u32 s23  }
0x2e: {  	p0 =	sne.s32 s23, $0xF8;
	s23 =	sadd.s32 $0x1, s23;
	_ =	swait.ge [sflag:s12], $0x1400  }
0x2f: {  	s24 =	sadd.s32 $0x50, s24;
	s26 =	sand.u32 $0x1, s23;
	[sflag:s12] =	ssyncset.done $0x0  }
0x30: {  	s25 =	sand.u32 $0x1, s25;
	p1 =	seq.s32 s26, $0x1;
	[sflag:s12] =	ssyncadd.s32 $0xFFFFEC00  }
.Ltmp0:
0x31: {  	s26 =	simm.s32 $0xFE60;
	_ =	swait.ge [sflag:s17], $0x1400;
	(pc) =	sbr.rel @p0 .LBB2_2-.Ltmp0, $4  }
0x32: {  	s22 =	sadd.s32 $0x50, s22;
	s26 =	simm.s32 @!p1 $0xEA60;
	[sflag:s17] =	ssyncset.done $0x0  }
0x33: {  	p1 =	seq.s32 s25, $0x1;
	s25 =	simm.s32 $0xFE60;
	[sflag:s17] =	ssyncadd.s32 $0xFFFFEC00  }
0x34: {  	[tilespmem:s26], [sflag:$0x1] =	stream.indirect.gather [hbm4b:s4+s19], $0x40, s24, s19, $0xb8;
	[tilespmem:$0x1B260] =	vst v63  }
0x35: {  	s25 =	simm.s32 @!p1 $0xEA60  }
0x36: {  	[spmem:s2] =	stream.indirect.scatter.add.f32 [tilespmem:s25], [sflag:$0x2], $0x40, s22, s19, $0xb8;
	[tilespmem:$0x1B260] =	vst v63  }
0x37: {  	_ =	swait.ge [sflag:s12], $0x1400  }
0x38: {  	[sflag:s12] =	ssyncset.done $0x0  }
0x39: {  	[sflag:s12] =	ssyncadd.s32 $0xFFFFEC00  }
0x3a: {  	_ =	swait.ge [sflag:s17], $0x1400  }
0x3b: {  	[sflag:s17] =	ssyncset.done $0x0  }
0x3c: {  	[sflag:s17] =	ssyncadd.s32 $0xFFFFEC00  }
0x3d: {  	[spmem:s2] =	stream.indirect.scatter.add.f32 [tilespmem:s18], [sflag:$0x2], $0x40, s20, s19, $0xb8;
	[tilespmem:$0x1B260] =	vst v63  }
0x3e: {  	_ =	swait.ge [sflag:s12], $0x1400  }
0x3f: {  	[sflag:s12] =	ssyncset.done $0x0  }
0x40: {  	[sflag:s12] =	ssyncadd.s32 $0xFFFFEC00  }
0x41: {  	[bflag:$0x0] =	sbarrier.arrive $0xFFFF  }
0x42: {  	[hbm:s9], [sflag:s14] =	dma.local [spmem:s15], $0x1400  }
0x43: {  	_ =	swait.ge [sflag:s12], $0x1400  }
0x44: {  	[sflag:s12] =	ssyncset.done $0x0  }
0x45: {  	[sflag:s12] =	ssyncadd.s32 $0xFFFFEC00  }
0x46: {  	[spmem:s15], [sflag:s14] =	dma.local [hbm:s8], $0x1400  }
0x47: {  	_ =	swait.ge [sflag:s12], $0x1400  }
0x48: {  	[sflag:s12] =	ssyncset.done $0x0  }
0x49: {  	[sflag:s12] =	ssyncadd.s32 $0xFFFFEC00  }
0x4a: {  	s22 =	simm.s32 $0x1;
	s24 =	simm.s32 $0x0;
	[bflag:$0x0] =	sbarrier.arrive $0xFFFF  }
0x4b: {  	[tilespmem:s16], [sflag:$0x1] =	stream.indirect.gather [hbm4b:s4+s19], $0x40, s13, s19, $0xb8;
	[tilespmem:$0x1B260] =	vst v63  }
0x4c: {  	s25 =	simm.s32 $0xFE60;
	s23 =	sand.u32 $0x1, s22;
	_ =	swait.ge [sflag:s17], $0x1400  }
0x4d: {  	s24 =	sand.u32 $0x1, s24;
	p0 =	seq.s32 s23, $0x1;
	[sflag:s17] =	ssyncset.done $0x0  }
0x4e: {  	s23 =	simm.s32 $0x4E70;
	s25 =	simm.s32 @!p0 $0xEA60;
	[sflag:s17] =	ssyncadd.s32 $0xFFFFEC00  }
0x4f: {  	[tilespmem:s25], [sflag:$0x1] =	stream.indirect.gather [hbm4b:s4+s19], $0x40, s23, s19, $0xb8;
	[tilespmem:$0x1B260] =	vst v63  }
0x50: {  	p0 =	seq.s32 s24, $0x1;
	s25 =	simm.s32 $0xFE60  }
0x51: {  	s24 =	simm.s32 $0x9C40;
	s25 =	simm.s32 @!p0 $0xEA60  }
.LBB2_4:
0x52: {  	[spmem:s2] =	stream.indirect.scatter.add.f32 [tilespmem:s25], [sflag:$0x2], $0x40, s24, s19, $0xb8;
	[tilespmem:$0x1B260] =	vst v63  }
0x53: {  	s25 =	smov.u32 s22  }
0x54: {  	p0 =	sne.s32 s22, $0xF8;
	s22 =	sadd.s32 $0x1, s22;
	_ =	swait.ge [sflag:s12], $0x1400  }
0x55: {  	s23 =	sadd.s32 $0x50, s23;
	s26 =	sand.u32 $0x1, s22;
	[sflag:s12] =	ssyncset.done $0x0  }
0x56: {  	s25 =	sand.u32 $0x1, s25;
	p1 =	seq.s32 s26, $0x1;
	[sflag:s12] =	ssyncadd.s32 $0xFFFFEC00  }
.Ltmp1:
0x57: {  	s26 =	simm.s32 $0xFE60;
	_ =	swait.ge [sflag:s17], $0x1400;
	(pc) =	sbr.rel @p0 .LBB2_4-.Ltmp1, $4  }
0x58: {  	s24 =	sadd.s32 $0x50, s24;
	s26 =	simm.s32 @!p1 $0xEA60;
	[sflag:s17] =	ssyncset.done $0x0  }
0x59: {  	p1 =	seq.s32 s25, $0x1;
	s25 =	simm.s32 $0xFE60;
	[sflag:s17] =	ssyncadd.s32 $0xFFFFEC00  }
0x5a: {  	[tilespmem:s26], [sflag:$0x1] =	stream.indirect.gather [hbm4b:s4+s19], $0x40, s23, s19, $0xb8;
	[tilespmem:$0x1B260] =	vst v63  }
0x5b: {  	s25 =	simm.s32 @!p1 $0xEA60  }
0x5c: {  	[spmem:s2] =	stream.indirect.scatter.add.f32 [tilespmem:s25], [sflag:$0x2], $0x40, s24, s19, $0xb8;
	[tilespmem:$0x1B260] =	vst v63  }
0x5d: {  	_ =	swait.ge [sflag:s12], $0x1400  }
0x5e: {  	[sflag:s12] =	ssyncset.done $0x0  }
0x5f: {  	[sflag:s12] =	ssyncadd.s32 $0xFFFFEC00  }
0x60: {  	_ =	swait.ge [sflag:s17], $0x1400  }
0x61: {  	[sflag:s17] =	ssyncset.done $0x0  }
0x62: {  	[sflag:s17] =	ssyncadd.s32 $0xFFFFEC00  }
0x63: {  	[spmem:s2] =	stream.indirect.scatter.add.f32 [tilespmem:s18], [sflag:$0x2], $0x40, s20, s19, $0xb8;
	[tilespmem:$0x1B260] =	vst v63  }
0x64: {  	_ =	swait.ge [sflag:s12], $0x1400  }
0x65: {  	s21 =	sadd.s32 $0x1, s21;
	[sflag:s12] =	ssyncset.done $0x0  }
0x66: {  	p0 =	sne.s32 s21, s11;
	[sflag:s12] =	ssyncadd.s32 $0xFFFFEC00  }
.Ltmp2:
0x67: {  	[bflag:$0x0] =	sbarrier.arrive $0xFFFF;
	(pc) =	sbr.rel @p0 .LBB2_1-.Ltmp2, $4  }
0x68: {  	[hbm:s10], [sflag:s14] =	dma.local [spmem:s15], $0x1400  }
0x69: {  	_ =	swait.ge [sflag:s12], $0x1400  }
0x6a: {  	[sflag:s12] =	ssyncset.done $0x0  }
0x6b: {  	[sflag:s12] =	ssyncadd.s32 $0xFFFFEC00  }
0x6c: {  	_ =	sfence.sel $0x180000  }
0x6d: {  	[bflag:$0x0] =	sbarrier.arrive $0xFFFF  }
0x6e: {  	p0 =	sne.s32 s1, $0x0;
	_ =	strace $0x9000004D  }
0x6f: {  	s0 =	sadd.s32 @!p0 $0x100000, s0;
	[bflag:$0x2] =	sbarrier.arrive $0xFFFF  }
0x70: {  	[sflag:s0] =	ssyncadd.tile.s32 @!p0 $0x1;
	_ =	shalt  }
.Lfunc_end2:
_tile_overlayer_lowered:
.L_overlay_start_2:
0x71: {  	(tag) =	ssettag $0x2  }
0x72: {  	s0 =	rddreg [dreg:$0x0];
	s2 =	stileid.u32  }
0x73: {  	s1 =	rddreg [dreg:$0x1];
	p0 =	sne.s32 s2, $0x0  }
0x74: {  	s3 =	rddreg [dreg:$0x2];
	[bflag:$0x3] =	sbarrier.arrive $0xFFFF;
	s2 =	simm.s32 @!p0 $0x1C02  }
0x75: {  	[timem:s3], [sflag:s2] =	dma.local @!p0 [hbm:s0], s1  }
0x76: {  	s0 =	simm.s32 @!p0 $0x2  }
0x77: {  	_ =	swait.ge @!p0 [sflag:s0], s1  }
0x78: {  	s1 =	ssub.s32 @!p0 $0x0, s1;
	[sflag:s0] =	ssyncset.done @!p0 $0x0  }
0x79: {  	[sflag:s0] =	ssyncadd.s32 @!p0 s1  }
0x7a: {  	[bflag:$0x3] =	sbarrier.arrive $0xFFFF  }
0x7b: {  	_ =	shalt  }

// kernel: kernel.8.cloned.1.call-start
scs
__scs_entry_jumppad:
0x0: {  	(pc) =	sbr.rel $0x88, $3  }
0x1: {  	(tag) =	ssettag $0x0;
	lr =	simm.s32 $0x1  }
0x2: {  	[smem:$0x3F9D] =	sst lr;
	_ =	strace $0xD0000000  }
0x3: {  	_ = 	snop  }
0x4: {  	_ = 	snop  }
0x5: {  	_ = 	snop  }
0x6: {  	_ = 	snop  }
0x7: {  	_ = 	snop  }
__scs_overlays_trampoline_lowered:
0x8: {  	[smem:$0x3FAC] =	sst s0  }
0x9: {  	[smem:$0x3FAD] =	sst s1  }
0xa: {  	[smem:$0x3FAE] =	sst s2  }
0xb: {  	[smem:$0x3FAF] =	sst s3  }
0xc: {  	[smem:$0x3FB0] =	sst s4  }
0xd: {  	[smem:$0x3FB1] =	sst s5  }
0xe: {  	[smem:$0x3FB2] =	sst s6  }
0xf: {  	[smem:$0x3FB3] =	sst s7  }
0x10: {  	[smem:$0x3FB4] =	sst s8  }
0x11: {  	[smem:$0x3FB5] =	sst s9;
	s0 =	simm.s32 @!p0 $0x0  }
0x12: {  	s1 =	sld [smem:$0x3F9B];
	s0 =	simm.s32 @p0 $0x1  }
0x13: {  	[smem:$0x3FB6] =	sst s0;
	s0 =	simm.s32 @!p1 $0x0  }
0x14: {  	s2 =	sld [smem:$0x3F9A];
	s0 =	simm.s32 @p1 $0x1  }
0x15: {  	[smem:$0x3FB7] =	sst s0;
	s0 =	simm.s32 @!p2 $0x0  }
0x16: {  	s3 =	sld [smem:$0x3FDB];
	s0 =	simm.s32 @p2 $0x1  }
0x17: {  	s4 =	simm.s32 $0x1BF5;
	[smem:$0x3FB9] =	sst s0  }
0x18: {  	s0 =	sld [smem:$0x3F9C];
	_ =	swait.ge [sflag:s4], $0x0  }
0x19: {  	s7 =	sld [smem:$0x3F9D]  }
0x1a: {  	s8 =	sadd.s32 $0xFFFFE003, lr  }
0x1b: {  	s9 =	sadd.s32 $0xFFFFFEF7, lr;
	s5 =	simm.s32 $0xFFFFFFFF;
	p2 =	slt.u32 s8, $0xFFFFF086  }
0x1c: {  	p1 =	slt.u32 s9, $0xF7A;
	s5 =	simm.s32 @!p2 $0x0  }
0x1d: {  	s5 =	simm.s32 @p1 $0x1;
	p0 =	seq.s32 s7, s2  }
0x1e: {  	s7 =	smul.u32 @!p0 $0xF7A, s2;
	p2 =	seq.s32 @!p0 s5, $0x0  }
0x1f: {  	s9 =	smul.u32 $0xF7A, s1;
	s8 =	simm.s32 @!p0 $0x1BF5;
	p2 =	por !p2, p0  }
0x20: {  	[sflag:s8] =	ssyncset.s32 @!p0 $0xFFFFF086;
	s6 =	sadd.s32 @!p0 s3, s7;
	s7 =	simm.s32 @!p0 $0x108  }
0x21: {  	s3 =	sadd.s32 s3, s9;
	s6 =	sadd.s32 @!p0 $0x88, s6;
	s7 =	simm.s32 @p2 $0x1082  }
0x22: {  	[simem:s7], [sflag:s8] =	dma.local @!p0 [hbm:s6], $0xF7A  }
0x23: {  	s9 =	sor.u32 $0xD0000000, s2;
	s6 =	simm.s32 $0x108;
	_ =	swait.ge @!p0 [sflag:s8], $0x0  }
0x24: {  	s3 =	sadd.s32 $0x88, s3;
	s6 =	simm.s32 @!p1 $0x1082;
	[sflag:s4] =	ssyncset.s32 $0xFFFFF086  }
0x25: {  	[simem:s6], [sflag:s4] =	dma.local [hbm:s3], $0xF7A  }
0x26: {  	[smem:$0x3F9D] =	sst s1;
	(tag) =	ssettag s2;
	_ =	strace s9  }
0x27: {  	s1 =	sld [smem:$0x3FAD]  }
0x28: {  	s2 =	sld [smem:$0x3FAE]  }
0x29: {  	s4 =	sld [smem:$0x3FB0]  }
0x2a: {  	p0 =	seq.s32 s5, $0x0;
	s5 =	sld [smem:$0x3FB1]  }
0x2b: {  	s6 =	sld [smem:$0x3FB2]  }
0x2c: {  	s7 =	sld [smem:$0x3FB3]  }
0x2d: {  	s3 =	simm.s32 $0x108;
	s8 =	sld [smem:$0x3FB4]  }
0x2e: {  	s3 =	simm.s32 @!p0 $0x1082;
	s9 =	sld [smem:$0x3FB5]  }
0x2f: {  	lr =	sadd.s32 s0, s3;
	s0 =	sld [smem:$0x3FAC]  }
0x30: {  	s3 =	sld [smem:$0x3FAF]  }
0x31: {  	[smem:$0x3FB8] =	sst s10  }
0x32: {  	s10 =	sld [smem:$0x3FB6];
	_ =	sdelay $0x3  }
0x33: {  	p0 =	seq.s32 s10, $0x1;
	s10 =	sld [smem:$0x3FB8];
	_ =	sdelay $0x3  }
0x34: {  	[smem:$0x3FB8] =	sst s10  }
0x35: {  	s10 =	sld [smem:$0x3FB7];
	_ =	sdelay $0x3  }
0x36: {  	p1 =	seq.s32 s10, $0x1;
	s10 =	sld [smem:$0x3FB8];
	_ =	sdelay $0x3  }
0x37: {  	[smem:$0x3FB8] =	sst s10  }
0x38: {  	s10 =	sld [smem:$0x3FB9]  }
0x39: {  	_ = 	snop;
	(pc) =	sbr.ind lr, $3  }
0x3a: {  	_ = 	snop  }
0x3b: {  	_ = 	snop  }
0x3c: {  	p2 =	seq.s32 s10, $0x1;
	s10 =	sld [smem:$0x3FB8]  }
0x3d: {  	_ =	shalt  }
0x3e: {  	_ =	shalt  }
0x3f: {  	_ =	shalt  }
0x40: {  	_ =	shalt  }
0x41: {  	_ =	shalt  }
0x42: {  	_ =	shalt  }
0x43: {  	_ =	shalt  }
0x44: {  	_ =	shalt  }
0x45: {  	_ =	shalt  }
0x46: {  	_ =	shalt  }
0x47: {  	_ =	shalt  }
0x48: {  	_ =	shalt  }
0x49: {  	_ =	shalt  }
0x4a: {  	_ =	shalt  }
0x4b: {  	_ =	shalt  }
0x4c: {  	_ =	shalt  }
0x4d: {  	_ =	shalt  }
0x4e: {  	_ =	shalt  }
0x4f: {  	_ =	shalt  }
0x50: {  	_ =	shalt  }
0x51: {  	_ =	shalt  }
0x52: {  	_ =	shalt  }
0x53: {  	_ =	shalt  }
0x54: {  	_ =	shalt  }
0x55: {  	_ =	shalt  }
0x56: {  	_ =	shalt  }
0x57: {  	_ =	shalt  }
0x58: {  	_ =	shalt  }
0x59: {  	_ =	shalt  }
0x5a: {  	_ =	shalt  }
0x5b: {  	_ =	shalt  }
0x5c: {  	_ =	shalt  }
0x5d: {  	_ =	shalt  }
0x5e: {  	_ =	shalt  }
0x5f: {  	_ =	shalt  }
0x60: {  	_ =	shalt  }
0x61: {  	_ =	shalt  }
0x62: {  	_ =	shalt  }
0x63: {  	_ =	shalt  }
0x64: {  	_ =	shalt  }
0x65: {  	_ =	shalt  }
0x66: {  	_ =	shalt  }
0x67: {  	_ =	shalt  }
0x68: {  	_ =	shalt  }
0x69: {  	_ =	shalt  }
0x6a: {  	_ =	shalt  }
0x6b: {  	_ =	shalt  }
0x6c: {  	_ =	shalt  }
0x6d: {  	_ =	shalt  }
0x6e: {  	_ =	shalt  }
0x6f: {  	_ =	shalt  }
0x70: {  	_ =	shalt  }
0x71: {  	_ =	shalt  }
0x72: {  	_ =	shalt  }
0x73: {  	_ =	shalt  }
0x74: {  	_ =	shalt  }
0x75: {  	_ =	shalt  }
0x76: {  	_ =	shalt  }
0x77: {  	_ =	shalt  }
0x78: {  	_ =	shalt  }
0x79: {  	_ =	shalt  }
0x7a: {  	_ =	shalt  }
0x7b: {  	_ =	shalt  }
0x7c: {  	_ =	shalt  }
0x7d: {  	_ =	shalt  }
0x7e: {  	_ =	shalt  }
0x7f: {  	_ =	shalt  }
0x80: {  	_ =	shalt  }
0x81: {  	_ =	shalt  }
0x82: {  	_ =	shalt  }
0x83: {  	_ =	shalt  }
0x84: {  	_ =	shalt  }
0x85: {  	_ =	shalt  }
0x86: {  	_ =	shalt  }
0x87: {  	_ =	shalt  }
.Lfunc_end0:
.L_simem_size_0:
called_computation_lowered:
.L_overlay_start_0:
0x88: {  	s2 =	sld [smem:$0x3FD9]  }
0x89: {  	s3 =	sld [smem:$0x3FFE];
	_ =	sdelay $0x1  }
0x8a: {  	s1 =	srdreg.scid  }
0x8b: {  	s0 =	sand.u32 $0x1, s1  }
0x8c: {  	s16 =	sshll.u32 s0, $0xA;
	s2 =	sadd.s32 s3, s2  }
0x8d: {  	s2 =	sadd.s32 s2, s16  }
0x8e: {  	[smem:$0x3FC4] =	sst s2  }
0x8f: {  	_ = 	snop  }
0x90: {  	(tm) =	ssettm $0x1  }
0x91: {  	s17 =	sld [smem:$0x3FFB];
	_ =	sdelay $0x3  }
0x92: {  	_ =	strace s17  }
0x93: {  	s2 =	sld [smem:$0x3FFC];
	_ =	sdelay $0x3  }
0x94: {  	_ =	strace s2  }
0x95: {  	s2 =	sld [smem:$0x3FFD];
	_ =	sdelay $0x3  }
0x96: {  	_ =	strace s2  }
0x97: {  	_ =	strace $0x8FFFFFFF  }
0x98: {  	s18 =	sld [smem:$0x3FDB];
	_ =	sdelay $0x1  }
0x99: {  	s19 =	simm.s32 $_scs_section_size  }
0x9a: {  	s4 =	simm.s32 $_size__tile_overlayer_lowered;
	s5 =	simm.s32 $_tile_overlayer_lowered  }
0x9b: {  	s22 =	simm.s32 $0x1BFF;
	s21 =	sshll.u32 s5, $0x1;
	s2 =	sadd.s32 s19, s18  }
0x9c: {  	s6 =	simm.s32 $0x0;
	s20 =	sshll.u32 s4, $0x1;
	s4 =	sadd.s32 s21, s2  }
0x9d: {  	[timem:s6], [sflag:s22] =	dma.local [hbm:s4], s20  }
0x9e: {  	_ =	swait.ge [sflag:s22], s20  }
0x9f: {  	s3 =	ssub.s32 $0x0, s20;
	[sflag:s22] =	ssyncset.done $0x0  }
0xa0: {  	[sflag:s22] =	ssyncadd.s32 s3;
	_ =	sdelay $0x1  }
0xa1: {  	s23 =	simm.s32 $0x1B8B  }
0xa2: {  	_ =	swait.ge [sflag:s23], $0x1  }
0xa3: {  	[sflag:s23] =	ssyncset.done $0x0  }
0xa4: {  	s25 =	simm.s32 $0x1B8E;
	s24 =	sld [smem:$0x3FFE];
	[sflag:s23] =	ssyncadd.s32 $0xFFFFFFFF  }
0xa5: {  	s26 =	simm.s32 $execute0_lowered;
	[smem:$0x3FD2] =	sst s25  }
0xa6: {  	s4 =	sshll.u32 s26, $0x1;
	_ =	strace $0x80000046;
	[dreg:$0x1] =	wrdreg $0xFFFFFFFF  }
0xa7: {  	s28 =	simm.s32 $_size_execute0_lowered;
	s2 =	sadd.s32 s2, s4;
	[dreg:$0x0] =	wrdreg $0x0  }
0xa8: {  	s4 =	sshll.u32 s28, $0x1;
	[dreg:$0x2] =	wrdreg s2  }
0xa9: {  	[dreg:$0x3] =	wrdreg s4  }
0xaa: {  	[dreg:$0x4] =	wrdreg $0xC0  }
0xab: {  	_ =	task [dreg:s6], $0x5FFFF  }
0xac: {  	[dreg:$0x1] =	wrdreg $0xFFFFFFFF  }
0xad: {  	[dreg:$0x0] =	wrdreg $0x60  }
0xae: {  	[dreg:$0x2] =	wrdreg s24  }
0xaf: {  	[dreg:$0x3] =	wrdreg $0x50F00  }
0xb0: {  	[dreg:$0x4] =	wrdreg $0x9  }
0xb1: {  	_ =	task.clear_ibuf [dreg:s6], $0x5FFFF;
	_ =	strace $0x90000046  }
0xb2: {  	s29 =	simm.s32 $0x9;
	_ =	strace $0x80000048  }
0xb3: {  	_ =	swait.ge [sflag:s29], $0x1  }
0xb4: {  	[sflag:s29] =	ssyncadd.s32 $0xFFFFFFFF  }
0xb5: {  	_ =	strace $0x90000048  }
0xb6: {  	_ =	sfence  }
0xb7: {  	s30 =	sld [smem:$0x0];
	_ =	sdelay $0x2  }
0xb8: {  	s31 =	sshll.u32 s1, $0xD;
	s1 =	sshrl.u32 s1, $0x2  }
0xb9: {  	s3 =	sand.u32 $0x4000, s31;
	s1 =	sadd.s32 s1, s30  }
0xba: {  	s0 =	sor.u32 s3, s0;
	s1 =	sshll.u32 s1, $0x11  }
0xbb: {  	s0 =	sor.u32 s1, s0  }
0xbc: {  	s0 =	sadd.s32 $0x8F2B, s0  }
0xbd: {  	[sflag:s0] =	ssyncadd.remote.s32 $0x1  }
0xbe: {  	_ =	sfence.sel $0xFFFF  }
0xbf: {  	[dreg:$0x0] =	wrdreg $0xFFFFFFFF;
	(pc) =	sbr.abs _section_cstart, $3  }
0xc0: {  	[dreg:$0x1] =	wrdreg $0xFFFFFFFF  }
0xc1: {  	_ =	task.clear_ibuf [dreg:s6], $0x2FFFF;
	_ =	strace $0x9FFFFFFF  }
0xc2: {  	(tm) =	ssettm $0x7FFFFFFF  }
0xc3: {  	_ =	shalt  }
tec
execute0_lowered:
.L_overlay_start_1:
0x0: {  	(tag) =	ssettag $0x1  }
0x1: {  	s4 =	rddreg [dreg:$0x0]  }
0x2: {  	s0 =	srdreg.scid;
	s2 =	rddreg [dreg:$0x1]  }
0x3: {  	s1 =	rddreg [dreg:$0x2];
	s5 =	sand.u32 $0x1, s0  }
0x4: {  	s0 =	stileid.u32;
	s6 =	smul.u32 $0x4E200, s5  }
0x5: {  	s3 =	simm.s32 $0x0;
	s10 =	simm.s32 $0x50;
	s7 =	smul.u32 $0x4E20, s0  }
0x6: {  	s11 =	simm.s32 $0x4E20;
	s14 =	simm.s32 $0x0;
	s8 =	smul.u32 $0x280, s0  }
0x7: {  	[smem:$0x7FF] =	sst s3;
	s9 =	smul.u32 $0x2800, s5;
	s5 =	ssub.s32 $0x2, s5  }
0x8: {  	_ =	strace $0x80000047;
	s12 =	sshll.u32 s0, $0x6;
	s31 =	sshrl.u32 s5, $0x1  }
0x9: {  	s12 =	sor.u32 $0x1C01, s12;
	s6 =	sadd.s32 s7, s6;
	s30 =	sadd.s32 s8, s9  }
0xa: {  	s9 =	ssub.s32 s5, s31;
	s6 =	sshrl.u32 s6, $0x3;
	s7 =	sshrl.u32 s30, $0x3  }
0xb: {  	s6 =	sadd.s32 s6, s4;
	s7 =	sadd.s32 s7, s4;
	s4 =	sadd.s32 s8, s2  }
0xc: {  	s8 =	simm.s32 $0x4E70;
	s5 =	sadd.s32 $0x800, s6;
	s6 =	sadd.s32 $0x14200, s7  }
0xd: {  	v0 =	vimm.f32 $1.000000000e+00;
	v1 =	vimm.f32 $0.0e+00;
	s7 =	smax.u32 s9, $0x1;
	s9 =	simm.s32 $0x1;
	s13 =	sshrl.u32 s4, $0x3  }
.LBB2_1:
0xe: {  	[tilespmem:$0x4E20] =	vst v0  }
0xf: {  	[tilespmem:$0x4E30] =	vst v0  }
0x10: {  	[tilespmem:$0x4E40] =	vst v0  }
0x11: {  	[tilespmem:$0x4E50] =	vst v0  }
0x12: {  	[tilespmem:$0x4E60] =	vst v0  }
0x13: {  	[tilespmem:$0x4E70] =	vst v1  }
0x14: {  	[tilespmem:$0x4E80] =	vst v1  }
0x15: {  	[tilespmem:$0x4E90] =	vst v1  }
0x16: {  	[tilespmem:$0x4EA0] =	vst v1  }
0x17: {  	[tilespmem:$0x4EB0] =	vst v1  }
0x18: {  	[tilespmem:$0x4EC0] =	vst v1  }
0x19: {  	[tilespmem:$0x4ED0] =	vst v1  }
0x1a: {  	[tilespmem:$0x4EE0] =	vst v1  }
0x1b: {  	[tilespmem:$0x4EF0] =	vst v1  }
0x1c: {  	[tilespmem:$0x4F00] =	vst v1  }
0x1d: {  	[tilespmem:$0x4F10] =	vst v1  }
0x1e: {  	[tilespmem:$0x4F20] =	vst v1  }
0x1f: {  	[tilespmem:$0x4F30] =	vst v1  }
0x20: {  	[tilespmem:$0x4F40] =	vst v1  }
0x21: {  	[tilespmem:$0x4F50] =	vst v1  }
0x22: {  	[tilespmem:$0x4F60] =	vst v1  }
0x23: {  	[tilespmem:$0x4F70] =	vst v1  }
0x24: {  	[tilespmem:$0x4F80] =	vst v1  }
0x25: {  	[tilespmem:$0x4F90] =	vst v1  }
0x26: {  	[tilespmem:$0x4FA0] =	vst v1  }
0x27: {  	[tilespmem:$0x4FB0] =	vst v1  }
0x28: {  	[tilespmem:$0x4FC0] =	vst v1  }
0x29: {  	[tilespmem:$0x4FD0] =	vst v1  }
0x2a: {  	[tilespmem:$0x4FE0] =	vst v1  }
0x2b: {  	[tilespmem:$0x4FF0] =	vst v1  }
0x2c: {  	[tilespmem:$0x5000] =	vst v1  }
0x2d: {  	[tilespmem:$0x5010] =	vst v1  }
0x2e: {  	[tilespmem:$0x5020] =	vst v1  }
0x2f: {  	[tilespmem:$0x5030] =	vst v1  }
0x30: {  	[tilespmem:$0x5040] =	vst v1  }
0x31: {  	[tilespmem:$0x5050] =	vst v1  }
0x32: {  	[tilespmem:$0x5060] =	vst v1  }
0x33: {  	[tilespmem:$0x5070] =	vst v1  }
0x34: {  	[tilespmem:$0x5080] =	vst v1  }
0x35: {  	[tilespmem:$0x5090] =	vst v1  }
0x36: {  	[tilespmem:$0x50A0] =	vst v1  }
0x37: {  	[tilespmem:$0x50B0] =	vst v1  }
0x38: {  	[tilespmem:$0x50C0] =	vst v1  }
0x39: {  	[tilespmem:$0x50D0] =	vst v1  }
0x3a: {  	[tilespmem:$0x50E0] =	vst v1  }
0x3b: {  	[spmem:s4] =	stream.linear.scatter [tilespmem:s8], [sflag:$0x1], $0x280, $0x38;
	[tilespmem:$0x5370] =	vst v63  }
0x3c: {  	_ =	swait.ge [sflag:s9], $0x280  }
0x3d: {  	[sflag:s9] =	ssyncset.done $0x0  }
0x3e: {  	[sflag:s9] =	ssyncadd.s32 $0xFFFFFD80  }
0x3f: {  	[tilespmem:s3], [sflag:$0x1] =	stream.linear.gather [hbm4b:s5+s3], $0x4E20, $0x38;
	[tilespmem:$0x5370] =	vst v63  }
0x40: {  	_ =	swait.ge [sflag:s9], $0x4E20  }
0x41: {  	[sflag:s9] =	ssyncset.done $0x0  }
0x42: {  	[sflag:s9] =	ssyncadd.s32 $0xFFFFB1E0  }
0x43: {  	s15 =	simm.s32 $0x0;
	[bflag:$0x0] =	sbarrier.arrive $0xFFFF  }
0x44: {  	[spmem:s2] =	stream.indirect.scatter.add.f32 [tilespmem:s11], [sflag:$0x1], $0x1, s15, s10, $0xb8;
	[tilespmem:$0x5370] =	vst v63  }
0x45: {  	_ =	swait.ge [sflag:s9], $0x50  }
0x46: {  	s15 =	simm.s32 $0x140;
	[sflag:s9] =	ssyncset.done $0x0  }
.LBB2_2:
0x47: {  	s16 =	sshra.s32 s15, $0x2;
	[sflag:s9] =	ssyncadd.s32 $0xFFFFFFB0;
	p0 =	sne.s32 s15, $0x13740  }
0x48: {  	[spmem:s2] =	stream.indirect.scatter.add.f32 [tilespmem:s11], [sflag:$0x1], $0x1, s16, s10, $0xb8;
	[tilespmem:$0x5370] =	vst v63  }
.Ltmp0:
0x49: {  	_ = 	snop;
	(pc) =	sbr.rel @p0 .LBB2_2-.Ltmp0, $4  }
0x4a: {  	_ = 	snop  }
0x4b: {  	s15 =	sadd.s32 $0x140, s15  }
0x4c: {  	_ =	swait.ge [sflag:s9], $0x50  }
0x4d: {  	[sflag:s9] =	ssyncset.done $0x0  }
0x4e: {  	s14 =	sadd.s32 $0x1, s14  }
0x4f: {  	[sflag:s9] =	ssyncadd.s32 $0xFFFFFFB0;
	p0 =	sne.s32 s14, s7  }
.Ltmp1:
0x50: {  	[bflag:$0x0] =	sbarrier.arrive $0xFFFF;
	(pc) =	sbr.rel @p0 .LBB2_1-.Ltmp1, $4  }
0x51: {  	[hbm:s6], [sflag:s12] =	dma.local [spmem:s13], $0x50  }
0x52: {  	_ =	swait.ge [sflag:s9], $0x50  }
0x53: {  	[sflag:s9] =	ssyncset.done $0x0  }
0x54: {  	[sflag:s9] =	ssyncadd.s32 $0xFFFFFFB0  }
0x55: {  	_ =	sfence.sel $0x180000  }
0x56: {  	[bflag:$0x0] =	sbarrier.arrive $0xFFFF  }
0x57: {  	p0 =	sne.s32 s0, $0x0;
	_ =	strace $0x90000047  }
0x58: {  	s0 =	sadd.s32 @!p0 $0x100000, s1;
	[bflag:$0x2] =	sbarrier.arrive $0xFFFF  }
0x59: {  	[sflag:s0] =	ssyncadd.tile.s32 @!p0 $0x1;
	_ =	shalt  }
.Lfunc_end2:
_tile_overlayer_lowered:
.L_overlay_start_2:
0x5a: {  	(tag) =	ssettag $0x2  }
0x5b: {  	s0 =	rddreg [dreg:$0x0];
	s2 =	stileid.u32  }
0x5c: {  	s1 =	rddreg [dreg:$0x1];
	p0 =	sne.s32 s2, $0x0  }
0x5d: {  	s3 =	rddreg [dreg:$0x2];
	[bflag:$0x3] =	sbarrier.arrive $0xFFFF;
	s2 =	simm.s32 @!p0 $0x1C01  }
0x5e: {  	[timem:s3], [sflag:s2] =	dma.local @!p0 [hbm:s0], s1  }
0x5f: {  	s0 =	simm.s32 @!p0 $0x1  }
0x60: {  	_ =	swait.ge @!p0 [sflag:s0], s1  }
0x61: {  	s1 =	ssub.s32 @!p0 $0x0, s1;
	[sflag:s0] =	ssyncset.done @!p0 $0x0  }
0x62: {  	[sflag:s0] =	ssyncadd.s32 @!p0 s1  }
0x63: {  	[bflag:$0x3] =	sbarrier.arrive $0xFFFF  }
0x64: {  	_ =	shalt  }

</sc_bundles>
